<compile_context>
chip_gen: v7x
topology: tpu7x:2x2x1
jax: 0.10.2.dev20260603
libtpu: 0.0.44.dev20260713+nightly
codegen_flags: <defaults>
</compile_context>

<pallas_src>
import functools

import jax
import jax.numpy as jnp
from jax import lax
from jax.experimental import pallas as pl
from jax.experimental.pallas import tpu as pltpu
from jax.experimental.pallas import tpu_sc as plsc

_DIM = 1024
_E = 8
_INNER = 4096
_T = 2048
_B = 128
_NBLK = _T // _B + _E
_P = _NBLK * _B
_EPS = 1e-06

_NC = 2
_NS = 16
_NW = _NC * _NS
_BPW = _T // _NW


def _gate_body(x_ref, wg_ref, bg_ref, xs_ref, p_ref, bmap_ref, act_ref,
               sched_ref):
    x = x_ref[...]
    logits = jnp.dot(x, wg_ref[...], preferred_element_type=jnp.float32)
    logits = logits + bg_ref[...]
    gs = jax.nn.softmax(logits, axis=-1)
    mx = jnp.max(gs, axis=1, keepdims=True)
    lane = lax.broadcasted_iota(jnp.int32, (_T, _E), 1)
    eid = jnp.min(jnp.where(gs == mx, lane, _E), axis=1, keepdims=True)
    onehot = (lane == eid).astype(jnp.float32)

    denom = jnp.sum(gs * onehot, axis=0, keepdims=True)
    counts_i = jnp.sum(onehot, axis=0, keepdims=True).astype(jnp.int32)
    pc = ((counts_i + (_B - 1)) // _B) * _B
    pc_f = pc.astype(jnp.float32)

    r8 = lax.broadcasted_iota(jnp.int32, (_E, _E), 0)
    c8 = lax.broadcasted_iota(jnp.int32, (_E, _E), 1)
    upper = (r8 < c8).astype(jnp.float32)
    off = jnp.dot(pc_f, upper, preferred_element_type=jnp.float32)

    ex = jnp.concatenate(
        [jnp.zeros((1, _E), jnp.float32), onehot[:-1]], axis=0)
    sh = 1
    while sh < _T:
        ex = ex + jnp.concatenate(
            [jnp.zeros((sh, _E), jnp.float32), ex[:-sh]], axis=0)
        sh *= 2
    rank = jnp.sum(ex * onehot, axis=1, keepdims=True)

    off_t = jnp.sum(off * onehot, axis=1, keepdims=True)
    denom_t = jnp.sum(denom * onehot, axis=1, keepdims=True)
    coeff = mx / (denom_t + _EPS) * float(_T)
    p_ref[...] = (off_t + rank).astype(jnp.int32)
    xs_ref[...] = x * coeff

    ends = off + pc_f
    rows_f = (lax.broadcasted_iota(jnp.int32, (_NBLK, _E), 0) * _B
              ).astype(jnp.float32)
    bmap_raw = jnp.sum((rows_f >= ends).astype(jnp.int32), axis=1,
                       keepdims=True)
    total = jnp.sum(pc)
    blk_lo = lax.broadcasted_iota(jnp.int32, (_NBLK, 1), 0) * _B
    act = (blk_lo < total).astype(jnp.int32)
    max_e = jnp.max(jnp.where(act == 1, bmap_raw, 0))
    bmap_col = jnp.minimum(bmap_raw, max_e)
    bmap_ref[...] = bmap_col
    act_ref[...] = act

    eyeN = (lax.broadcasted_iota(jnp.int32, (_NBLK, _NBLK), 0)
            == lax.broadcasted_iota(jnp.int32, (_NBLK, _NBLK), 1)
            ).astype(jnp.float32)
    bmap_row = lax.dot_general(
        bmap_col.astype(jnp.float32), eyeN, (((0,), (0,)), ((), ())),
        preferred_element_type=jnp.float32)
    e_row = jnp.concatenate([bmap_row] * _KT, axis=1)
    idx_row = lax.broadcasted_iota(jnp.int32, (1, _S), 1)
    k_row = (idx_row // _NBLK).astype(jnp.float32)
    prev_e = jnp.concatenate([e_row[:, :1], e_row[:, :-1]], axis=1)
    prev_k = jnp.concatenate([k_row[:, :1], k_row[:, :-1]], axis=1)
    chg_row = jnp.where(
        (idx_row == 0) | (e_row != prev_e) | (k_row != prev_k), 1.0, 0.0)
    rS = lax.broadcasted_iota(jnp.int32, (_S, _S), 0)
    cS = lax.broadcasted_iota(jnp.int32, (_S, _S), 1)
    le = (rS <= cS).astype(jnp.float32)
    seg = jnp.dot(chg_row, le, preferred_element_type=jnp.float32) - 1.0
    seg_i = seg.astype(jnp.int32)
    slot_row = seg_i - 2 * (seg_i // 2)
    eyeS = (rS == cS).astype(jnp.float32)
    chg_col = lax.dot_general(
        eyeS, chg_row, (((1,), (1,)), ((), ())),
        preferred_element_type=jnp.float32)
    cand = jnp.where((rS > cS) & (chg_col == 1.0), rS, _S)
    nc_row = jnp.min(cand, axis=0, keepdims=True)
    has_n = (nc_row < _S).astype(jnp.int32)
    nc_c = jnp.minimum(nc_row, _S - 1)
    ohg = (rS == nc_c).astype(jnp.float32)
    nxt_e = jnp.dot(e_row, ohg, preferred_element_type=jnp.float32)
    nxt_k = jnp.dot(k_row, ohg, preferred_element_type=jnp.float32)
    sched_ref[...] = jnp.concatenate([
        chg_row.astype(jnp.int32), slot_row, e_row.astype(jnp.int32),
        k_row.astype(jnp.int32), nxt_e.astype(jnp.int32),
        nxt_k.astype(jnp.int32), has_n,
    ], axis=0)


_KT = 2
_IK = _INNER // _KT
_S = _KT * _NBLK
_NSPLIT = 4


def _ffn_body(sched_ref, act_ref, x_ref, w1_hbm, w2_hbm, out_ref,
              acc_ref, xcache_ref, w1buf, w2buf, w1sem, w2sem):
    k = pl.program_id(0)
    i = pl.program_id(1)
    s = k * _NBLK + i
    chg = sched_ref[0, s]
    slot = sched_ref[1, s]
    cur_e = sched_ref[2, s]
    cur_k = sched_ref[3, s]
    nxt_e = sched_ref[4, s]
    nxt_k = sched_ref[5, s]
    has_n = sched_ref[6, s]

    def copies(e, kk, sl):
        cs = []
        r1 = _DIM // _NSPLIT
        r2 = _IK // _NSPLIT
        for j in range(_NSPLIT):
            cs.append(pltpu.make_async_copy(
                w1_hbm.at[e, pl.ds(j * r1, r1), pl.ds(kk * _IK, _IK)],
                w1buf.at[sl, pl.ds(j * r1, r1)], w1sem.at[sl, j]))
            cs.append(pltpu.make_async_copy(
                w2_hbm.at[e, pl.ds(kk * _IK + j * r2, r2), :],
                w2buf.at[sl, pl.ds(j * r2, r2)], w2sem.at[sl, j]))
        return cs

    @pl.when(s == 0)
    def _():
        for c in copies(cur_e, cur_k, slot):
            c.start()

    @pl.when(chg == 1)
    def _():
        for c in copies(cur_e, cur_k, slot):
            c.wait()

        @pl.when(has_n == 1)
        def _():
            for c in copies(nxt_e, nxt_k, 1 - slot):
                c.start()

    @pl.when(act_ref[i] == 1)
    def _():
        sl0 = pl.ds(i * _B, _B)

        @pl.when(k == 0)
        def _():
            xcache_ref[sl0, :] = x_ref[...]

        xv = jnp.where(k == 0, x_ref[...], xcache_ref[sl0, :])
        h = jnp.dot(xv, w1buf[slot],
                    preferred_element_type=jnp.float32)
        h = jnp.maximum(h, 0.0)
        part = jnp.dot(h, w2buf[slot], preferred_element_type=jnp.float32)
        sl = pl.ds(i * _B, _B)

        @pl.when(k == 0)
        def _():
            acc_ref[sl, :] = part

        @pl.when(k != 0)
        def _():
            acc_ref[sl, :] = acc_ref[sl, :] + part

        @pl.when(k == _KT - 1)
        def _():
            out_ref[...] = acc_ref[sl, :]


@functools.cache
def _make_sc_kernels():
    mesh = plsc.VectorSubcoreMesh(core_axis_name="c", subcore_axis_name="s")
    scratch = [
        pltpu.VMEM((_BPW,), jnp.int32),
        pltpu.VMEM((_BPW, _DIM), jnp.float32),
        pltpu.SemaphoreType.DMA,
    ]

    @functools.partial(
        pl.kernel,
        mesh=mesh,
        out_type=jax.ShapeDtypeStruct((_P, _DIM), jnp.float32),
        scratch_types=scratch,
    )
    def sc_scatter(x_hbm, p_hbm, out_hbm, idx_v, rows_v, sem):
        wid = lax.axis_index("s") * _NC + lax.axis_index("c")
        base = wid * _BPW
        pltpu.sync_copy(p_hbm.at[pl.ds(base, _BPW)], idx_v)
        pltpu.sync_copy(x_hbm.at[pl.ds(base, _BPW)], rows_v)
        pltpu.async_copy(rows_v, out_hbm.at[idx_v], sem).wait()

    @functools.partial(
        pl.kernel,
        mesh=mesh,
        out_type=jax.ShapeDtypeStruct((_T, _DIM), jnp.float32),
        scratch_types=scratch,
    )
    def sc_gather(src_hbm, p_hbm, out_hbm, idx_v, rows_v, sem):
        wid = lax.axis_index("s") * _NC + lax.axis_index("c")
        base = wid * _BPW
        pltpu.sync_copy(p_hbm.at[pl.ds(base, _BPW)], idx_v)
        pltpu.async_copy(src_hbm.at[idx_v], rows_v, sem).wait()
        pltpu.sync_copy(rows_v, out_hbm.at[pl.ds(base, _BPW)])

    return sc_scatter, sc_gather


def kernel(x, Wg, bg, W1, W2):
    batch, n, dim = x.shape
    x_flat = x.reshape((_T, _DIM))

    xs, p, bmap, act, sched = pl.pallas_call(
        _gate_body,
        out_shape=(
            jax.ShapeDtypeStruct((_T, _DIM), jnp.float32),
            jax.ShapeDtypeStruct((_T, 1), jnp.int32),
            jax.ShapeDtypeStruct((_NBLK, 1), jnp.int32),
            jax.ShapeDtypeStruct((_NBLK, 1), jnp.int32),
            jax.ShapeDtypeStruct((7, _S), jnp.int32),
        ),
    )(x_flat, Wg, bg.reshape((1, _E)))

    sc_scatter, sc_gather = _make_sc_kernels()
    p_flat = p.reshape((_T,))
    x_sorted = sc_scatter(xs, p_flat)

    grid_spec = pltpu.PrefetchScalarGridSpec(
        num_scalar_prefetch=2,
        grid=(_KT, _NBLK),
        in_specs=[
            pl.BlockSpec(
                (_B, _DIM),
                lambda k, i, sc, ac: (
                    jnp.where((ac[i] == 1) & (k == 0), i, 0), 0)),
            pl.BlockSpec(memory_space=pltpu.MemorySpace.HBM),
            pl.BlockSpec(memory_space=pltpu.MemorySpace.HBM),
        ],
        out_specs=pl.BlockSpec(
            (_B, _DIM), lambda k, i, sc, ac: (jnp.where(k == _KT - 1, i, 0), 0)),
        scratch_shapes=[
            pltpu.VMEM((_P, _DIM), jnp.float32),
            pltpu.VMEM((_P, _DIM), jnp.float32),
            pltpu.VMEM((2, _DIM, _IK), jnp.float32),
            pltpu.VMEM((2, _IK, _DIM), jnp.float32),
            pltpu.SemaphoreType.DMA((2, _NSPLIT)),
            pltpu.SemaphoreType.DMA((2, _NSPLIT)),
        ],
    )
    ffn_sorted = pl.pallas_call(
        _ffn_body,
        grid_spec=grid_spec,
        out_shape=jax.ShapeDtypeStruct((_P, _DIM), jnp.float32),
        compiler_params=pltpu.CompilerParams(
            vmem_limit_bytes=63 * 1024 * 1024),
    )(sched, act.reshape((_NBLK,)), x_sorted, W1, W2)

    out = sc_gather(ffn_sorted, p_flat)
    return out.reshape((batch, n, dim))

# --- scband reference (transcript-rebuilt; emitter-appended) ---
"""Pipeline reference for scband-switch-mo-e-89824946028712 (READ-ONLY COPY).

The authoritative reference and input builder live on the scoring server;
editing this copy changes nothing except your own understanding.
"""

import jax, jax.numpy as jnp
import numpy as np

DIM = 1024
NUM_EXPERTS = 8
MULT = 4
INNER = DIM * MULT
CAPACITY_FACTOR = 1.0
EPSILON = 1e-06


def setup_inputs(seed: int = 0) -> dict:
    key = jax.random.key(seed)
    ks = jax.random.split(key, 6)
    x = jax.random.normal(ks[0], (1, 2048, DIM), dtype=jnp.float32)
    # gate linear (with bias, like nn.Linear)
    Wg = jax.random.normal(ks[1], (DIM, NUM_EXPERTS), dtype=jnp.float32) * (1.0 / np.sqrt(DIM))
    bg = jax.random.normal(ks[2], (NUM_EXPERTS,), dtype=jnp.float32) * 0.01
    # stacked expert weights: Linear(dim, inner, bias=False) -> ReLU -> Linear(inner, dim, bias=False)
    W1 = jax.random.normal(ks[3], (NUM_EXPERTS, DIM, INNER), dtype=jnp.float32) * (1.0 / np.sqrt(DIM))
    W2 = jax.random.normal(ks[4], (NUM_EXPERTS, INNER, DIM), dtype=jnp.float32) * (1.0 / np.sqrt(INNER))
    return {"x": x, "Wg": Wg, "bg": bg, "W1": W1, "W2": W2}


def reference(x, Wg, bg, W1, W2):
    batch, N, dim = x.shape
    T = batch * N
    x_flat = x.reshape((T, dim))

    # ---- SwitchGate ----
    logits = x_flat @ Wg + bg
    gate_scores = jax.nn.softmax(logits, axis=-1)
    capacity = int(CAPACITY_FACTOR * T)
    top_k_scores, top_k_indices = jax.lax.top_k(gate_scores, 1)
    mask = jnp.zeros_like(gate_scores).at[jnp.arange(T)[:, None], top_k_indices].set(1.0)
    masked_gate_scores = gate_scores * mask
    denominators = masked_gate_scores.sum(axis=0, keepdims=True) + EPSILON
    gate_scores = masked_gate_scores / denominators * capacity
    gate_scores = gate_scores.reshape((batch, N, NUM_EXPERTS))

    # ---- dense experts (every expert processes every token, as in the torch code) ----
    expert_outputs = []
    for e in range(NUM_EXPERTS):
        h = jax.nn.relu(x @ W1[e])
        expert_outputs.append(h @ W2[e])
    stacked_expert_outputs = jnp.stack(expert_outputs, axis=-1)  # [B, N, dim, E]

    moe_output = jnp.sum(gate_scores[..., None, :] * stacked_expert_outputs, axis=-1)
    return moe_output

if __name__ == "__main__":
    import jax
    _d = setup_inputs()
    print(jax.jit(kernel)(*tuple(_d.values())))

</pallas_src>

<mosaic_0001>
#map = affine_map<(d0, d1) -> (0, 0)>
#map1 = affine_map<(d0, d1) -> (0)>
module attributes {stable_mosaic.version = 14 : i64} {
  func.func @sc_gather(%arg0: i32, %arg1: i32, %arg2: memref<3072x1024xf32, #tpu.memory_space<hbm>>, %arg3: memref<2048xi32, #tpu.memory_space<hbm>>, %arg4: memref<2048x1024xf32, #tpu.memory_space<hbm>>, %arg5: memref<64xi32, #tpu.memory_space<vmem>>, %arg6: memref<64x1024xf32, #tpu.memory_space<vmem>>, %arg7: memref<!tpu.dma_semaphore, #tpu.memory_space<semaphore_mem>>) attributes {dimension_semantics = [#tpu.dimension_semantics<core_parallel>, #tpu.dimension_semantics<subcore_parallel>], iteration_bounds = array<i64: 2, 16>, scalar_prefetch = 0 : i64, scratch_operands = 3 : i64, tpu.core_type = #tpu.core_type<sc_vector_subcore>, window_params = [{transform_indices = #map}, {transform_indices = #map1}, {transform_indices = #map}]} {
    %mul3A = arith.constant 2 : i32
    %mul3A_0 = arith.muli %arg1, %mul3A : i32
    %add3A = arith.addi %mul3A_0, %arg0 : i32
    %mul3A_1 = arith.constant 64 : i32
    %mul3A_2 = arith.muli %add3A, %mul3A_1 : i32
    "tpu.region"() ({
      %run_scoped3A = tpu.sem_alloc : memref<!tpu.dma_semaphore, #tpu.memory_space<semaphore_mem>>
      %dma_start3A_7 = tpu.memref_slice %arg3[%mul3A_2] : memref<2048xi32, #tpu.memory_space<hbm>> -> memref<64xi32, #tpu.memory_space<hbm>>
      %dma_start3A_8 = tpu.memref_slice %arg3[%mul3A_2] : memref<2048xi32, #tpu.memory_space<hbm>> -> memref<64xi32, #tpu.memory_space<hbm>>
      tpu.enqueue_dma source(%dma_start3A_8 : memref<64xi32, #tpu.memory_space<hbm>>) target(%arg5 : memref<64xi32, #tpu.memory_space<vmem>>) target_semaphore(%run_scoped3A : memref<!tpu.dma_semaphore, #tpu.memory_space<semaphore_mem>>)
      %dma_wait3A_9 = tpu.memref_slice %arg3[%mul3A_2] : memref<2048xi32, #tpu.memory_space<hbm>> -> memref<64xi32, #tpu.memory_space<hbm>>
      %dma_wait3A_10 = tpu.memref_slice %arg3[%mul3A_2] : memref<2048xi32, #tpu.memory_space<hbm>> -> memref<64xi32, #tpu.memory_space<hbm>>
      tpu.wait_dma2 semaphore(%run_scoped3A : memref<!tpu.dma_semaphore, #tpu.memory_space<semaphore_mem>>) src(%dma_wait3A_10 : memref<64xi32, #tpu.memory_space<hbm>>) dst(%arg5 : memref<64xi32, #tpu.memory_space<vmem>>)
      tpu.yield
    }) : () -> ()
    %dma_start3A = arith.constant 0 : i32
    %dma_start3A_3 = arith.constant 0 : i32
    %dma_start3A_4 = tpu.memref_slice %arg2[%dma_start3A, %dma_start3A_3] : memref<3072x1024xf32, #tpu.memory_space<hbm>> -> memref<3072x1024xf32, #tpu.memory_space<hbm>>
    tpu.enqueue_indirect_dma source(%dma_start3A_4 : memref<3072x1024xf32, #tpu.memory_space<hbm>>) target(%arg6 : memref<64x1024xf32, #tpu.memory_space<vmem>>) offsets(%arg5 : memref<64xi32, #tpu.memory_space<vmem>>) semaphore(%arg7 : memref<!tpu.dma_semaphore, #tpu.memory_space<semaphore_mem>>)
    %dma_wait3A = arith.constant 0 : i32
    %dma_wait3A_5 = arith.constant 0 : i32
    %dma_wait3A_6 = tpu.memref_slice %arg2[%dma_wait3A, %dma_wait3A_5] : memref<3072x1024xf32, #tpu.memory_space<hbm>> -> memref<3072x1024xf32, #tpu.memory_space<hbm>>
    tpu.wait_indirect_dma semaphore(%arg7 : memref<!tpu.dma_semaphore, #tpu.memory_space<semaphore_mem>>) src(%dma_wait3A_6 : memref<3072x1024xf32, #tpu.memory_space<hbm>>) dst(%arg6 : memref<64x1024xf32, #tpu.memory_space<vmem>>)
    "tpu.region"() ({
      %run_scoped3A = tpu.sem_alloc : memref<!tpu.dma_semaphore, #tpu.memory_space<semaphore_mem>>
      %dma_start3A_7 = arith.constant 0 : i32
      %dma_start3A_8 = tpu.memref_slice %arg4[%mul3A_2, %dma_start3A_7] : memref<2048x1024xf32, #tpu.memory_space<hbm>> -> memref<64x1024xf32, #tpu.memory_space<hbm>>
      %dma_start3A_9 = arith.constant 0 : i32
      %dma_start3A_10 = tpu.memref_slice %arg4[%mul3A_2, %dma_start3A_9] : memref<2048x1024xf32, #tpu.memory_space<hbm>> -> memref<64x1024xf32, #tpu.memory_space<hbm>>
      tpu.enqueue_dma source(%arg6 : memref<64x1024xf32, #tpu.memory_space<vmem>>) target(%dma_start3A_10 : memref<64x1024xf32, #tpu.memory_space<hbm>>) target_semaphore(%run_scoped3A : memref<!tpu.dma_semaphore, #tpu.memory_space<semaphore_mem>>)
      %dma_wait3A_11 = arith.constant 0 : i32
      %dma_wait3A_12 = tpu.memref_slice %arg4[%mul3A_2, %dma_wait3A_11] : memref<2048x1024xf32, #tpu.memory_space<hbm>> -> memref<64x1024xf32, #tpu.memory_space<hbm>>
      %dma_wait3A_13 = arith.constant 0 : i32
      %dma_wait3A_14 = tpu.memref_slice %arg4[%mul3A_2, %dma_wait3A_13] : memref<2048x1024xf32, #tpu.memory_space<hbm>> -> memref<64x1024xf32, #tpu.memory_space<hbm>>
      tpu.wait_dma2 semaphore(%run_scoped3A : memref<!tpu.dma_semaphore, #tpu.memory_space<semaphore_mem>>) src(%arg6 : memref<64x1024xf32, #tpu.memory_space<vmem>>) dst(%dma_wait3A_14 : memref<64x1024xf32, #tpu.memory_space<hbm>>)
      tpu.yield
    }) : () -> ()
    return
  }
}

#map = affine_map<(d0, d1) -> (0, 0)>
#map1 = affine_map<(d0, d1) -> (0)>
module attributes {stable_mosaic.version = 14 : i64} {
  func.func @sc_scatter(%arg0: i32, %arg1: i32, %arg2: memref<2048x1024xf32, #tpu.memory_space<hbm>>, %arg3: memref<2048xi32, #tpu.memory_space<hbm>>, %arg4: memref<3072x1024xf32, #tpu.memory_space<hbm>>, %arg5: memref<64xi32, #tpu.memory_space<vmem>>, %arg6: memref<64x1024xf32, #tpu.memory_space<vmem>>, %arg7: memref<!tpu.dma_semaphore, #tpu.memory_space<semaphore_mem>>) attributes {dimension_semantics = [#tpu.dimension_semantics<core_parallel>, #tpu.dimension_semantics<subcore_parallel>], iteration_bounds = array<i64: 2, 16>, scalar_prefetch = 0 : i64, scratch_operands = 3 : i64, tpu.core_type = #tpu.core_type<sc_vector_subcore>, window_params = [{transform_indices = #map}, {transform_indices = #map1}, {transform_indices = #map}]} {
    %mul3A = arith.constant 2 : i32
    %mul3A_0 = arith.muli %arg1, %mul3A : i32
    %add3A = arith.addi %mul3A_0, %arg0 : i32
    %mul3A_1 = arith.constant 64 : i32
    %mul3A_2 = arith.muli %add3A, %mul3A_1 : i32
    "tpu.region"() ({
      %run_scoped3A = tpu.sem_alloc : memref<!tpu.dma_semaphore, #tpu.memory_space<semaphore_mem>>
      %dma_start3A_7 = tpu.memref_slice %arg3[%mul3A_2] : memref<2048xi32, #tpu.memory_space<hbm>> -> memref<64xi32, #tpu.memory_space<hbm>>
      %dma_start3A_8 = tpu.memref_slice %arg3[%mul3A_2] : memref<2048xi32, #tpu.memory_space<hbm>> -> memref<64xi32, #tpu.memory_space<hbm>>
      tpu.enqueue_dma source(%dma_start3A_8 : memref<64xi32, #tpu.memory_space<hbm>>) target(%arg5 : memref<64xi32, #tpu.memory_space<vmem>>) target_semaphore(%run_scoped3A : memref<!tpu.dma_semaphore, #tpu.memory_space<semaphore_mem>>)
      %dma_wait3A_9 = tpu.memref_slice %arg3[%mul3A_2] : memref<2048xi32, #tpu.memory_space<hbm>> -> memref<64xi32, #tpu.memory_space<hbm>>
      %dma_wait3A_10 = tpu.memref_slice %arg3[%mul3A_2] : memref<2048xi32, #tpu.memory_space<hbm>> -> memref<64xi32, #tpu.memory_space<hbm>>
      tpu.wait_dma2 semaphore(%run_scoped3A : memref<!tpu.dma_semaphore, #tpu.memory_space<semaphore_mem>>) src(%dma_wait3A_10 : memref<64xi32, #tpu.memory_space<hbm>>) dst(%arg5 : memref<64xi32, #tpu.memory_space<vmem>>)
      tpu.yield
    }) : () -> ()
    "tpu.region"() ({
      %run_scoped3A = tpu.sem_alloc : memref<!tpu.dma_semaphore, #tpu.memory_space<semaphore_mem>>
      %dma_start3A_7 = arith.constant 0 : i32
      %dma_start3A_8 = tpu.memref_slice %arg2[%mul3A_2, %dma_start3A_7] : memref<2048x1024xf32, #tpu.memory_space<hbm>> -> memref<64x1024xf32, #tpu.memory_space<hbm>>
      %dma_start3A_9 = arith.constant 0 : i32
      %dma_start3A_10 = tpu.memref_slice %arg2[%mul3A_2, %dma_start3A_9] : memref<2048x1024xf32, #tpu.memory_space<hbm>> -> memref<64x1024xf32, #tpu.memory_space<hbm>>
      tpu.enqueue_dma source(%dma_start3A_10 : memref<64x1024xf32, #tpu.memory_space<hbm>>) target(%arg6 : memref<64x1024xf32, #tpu.memory_space<vmem>>) target_semaphore(%run_scoped3A : memref<!tpu.dma_semaphore, #tpu.memory_space<semaphore_mem>>)
      %dma_wait3A_11 = arith.constant 0 : i32
      %dma_wait3A_12 = tpu.memref_slice %arg2[%mul3A_2, %dma_wait3A_11] : memref<2048x1024xf32, #tpu.memory_space<hbm>> -> memref<64x1024xf32, #tpu.memory_space<hbm>>
      %dma_wait3A_13 = arith.constant 0 : i32
      %dma_wait3A_14 = tpu.memref_slice %arg2[%mul3A_2, %dma_wait3A_13] : memref<2048x1024xf32, #tpu.memory_space<hbm>> -> memref<64x1024xf32, #tpu.memory_space<hbm>>
      tpu.wait_dma2 semaphore(%run_scoped3A : memref<!tpu.dma_semaphore, #tpu.memory_space<semaphore_mem>>) src(%dma_wait3A_14 : memref<64x1024xf32, #tpu.memory_space<hbm>>) dst(%arg6 : memref<64x1024xf32, #tpu.memory_space<vmem>>)
      tpu.yield
    }) : () -> ()
    %dma_start3A = arith.constant 0 : i32
    %dma_start3A_3 = arith.constant 0 : i32
    %dma_start3A_4 = tpu.memref_slice %arg4[%dma_start3A, %dma_start3A_3] : memref<3072x1024xf32, #tpu.memory_space<hbm>> -> memref<3072x1024xf32, #tpu.memory_space<hbm>>
    tpu.enqueue_indirect_dma source(%arg6 : memref<64x1024xf32, #tpu.memory_space<vmem>>) target(%dma_start3A_4 : memref<3072x1024xf32, #tpu.memory_space<hbm>>) offsets(%arg5 : memref<64xi32, #tpu.memory_space<vmem>>) semaphore(%arg7 : memref<!tpu.dma_semaphore, #tpu.memory_space<semaphore_mem>>)
    %dma_wait3A = arith.constant 0 : i32
    %dma_wait3A_5 = arith.constant 0 : i32
    %dma_wait3A_6 = tpu.memref_slice %arg4[%dma_wait3A, %dma_wait3A_5] : memref<3072x1024xf32, #tpu.memory_space<hbm>> -> memref<3072x1024xf32, #tpu.memory_space<hbm>>
    tpu.wait_indirect_dma semaphore(%arg7 : memref<!tpu.dma_semaphore, #tpu.memory_space<semaphore_mem>>) src(%arg6 : memref<64x1024xf32, #tpu.memory_space<vmem>>) dst(%dma_wait3A_6 : memref<3072x1024xf32, #tpu.memory_space<hbm>>)
    return
  }
}

module attributes {stable_mosaic.version = 14 : i64} {
  func.func @_gate_body(%arg0: memref<2048x1024xf32, #tpu.memory_space<vmem>>, %arg1: memref<1024x8xf32, #tpu.memory_space<vmem>>, %arg2: memref<1x8xf32, #tpu.memory_space<vmem>>, %arg3: memref<2048x1024xf32, #tpu.memory_space<vmem>>, %arg4: memref<2048x1xi32, #tpu.memory_space<vmem>>, %arg5: memref<24x1xi32, #tpu.memory_space<vmem>>, %arg6: memref<24x1xi32, #tpu.memory_space<vmem>>, %arg7: memref<7x48xi32, #tpu.memory_space<vmem>>) attributes {dimension_semantics = [], scalar_prefetch = 0 : i64, scratch_operands = 0 : i64, tpu.core_type = #tpu.core_type<tc>} {
    %get3A = arith.constant 0 : index
    %get3A_0 = arith.constant 0 : index
    %get3A_1 = vector.load %arg0[%get3A, %get3A_0] : memref<2048x1024xf32, #tpu.memory_space<vmem>>, vector<2048x1024xf32>
    %get3A_2 = arith.constant 0 : index
    %get3A_3 = arith.constant 0 : index
    %get3A_4 = vector.load %arg1[%get3A_2, %get3A_3] : memref<1024x8xf32, #tpu.memory_space<vmem>>, vector<1024x8xf32>
    %dot_general3A = arith.constant dense<0.000000e+00> : vector<2048x8xf32>
    %dot_general3A_5 = tpu.matmul %get3A_1, %get3A_4, %dot_general3A {dimension_numbers = #tpu.dot_dimension_numbers<[1], [0], [0], [1], [0, 0, 1, 1], [], []>, transpose_lhs_hint = false} : vector<2048x1024xf32>, vector<1024x8xf32>, vector<2048x8xf32> -> vector<2048x8xf32>
    %get3A_6 = arith.constant 0 : index
    %get3A_7 = arith.constant 0 : index
    %get3A_8 = vector.load %arg2[%get3A_6, %get3A_7] : memref<1x8xf32, #tpu.memory_space<vmem>>, vector<1x8xf32>
    %add3A = vector.broadcast %get3A_8 : vector<1x8xf32> to vector<2048x8xf32>
    %add3A_9 = arith.addf %dot_general3A_5, %add3A : vector<2048x8xf32>
    %reduce_max3A = arith.constant dense<0xFF800000> : vector<2048xf32>
    %reduce_max3A_10 = vector.multi_reduction <maximumf>, %add3A_9, %reduce_max3A [1] : vector<2048x8xf32> to vector<2048xf32>
    %max3A = arith.constant 0xFF800000 : f32
    %max3A_11 = vector.broadcast %max3A : f32 to vector<2048xf32>
    %max3A_12 = arith.maximumf %max3A_11, %reduce_max3A_10 : vector<2048xf32>
    %broadcast_in_dim3A = vector.shape_cast %max3A_12 : vector<2048xf32> to vector<2048x1xf32>
    %sub3A = vector.broadcast %broadcast_in_dim3A : vector<2048x1xf32> to vector<2048x8xf32>
    %sub3A_13 = arith.subf %add3A_9, %sub3A : vector<2048x8xf32>
    %exp3A = math.exp %sub3A_13 : vector<2048x8xf32>
    %reduce_sum3A = arith.constant dense<0.000000e+00> : vector<2048xf32>
    %reduce_sum3A_14 = vector.multi_reduction <add>, %exp3A, %reduce_sum3A [1] : vector<2048x8xf32> to vector<2048xf32>
    %broadcast_in_dim3A_15 = vector.shape_cast %reduce_sum3A_14 : vector<2048xf32> to vector<2048x1xf32>
    %div3A = vector.broadcast %broadcast_in_dim3A_15 : vector<2048x1xf32> to vector<2048x8xf32>
    %div3A_16 = arith.divf %exp3A, %div3A : vector<2048x8xf32>
    %reduce_max3A_17 = arith.constant dense<0xFF800000> : vector<2048xf32>
    %reduce_max3A_18 = vector.multi_reduction <maximumf>, %div3A_16, %reduce_max3A_17 [1] : vector<2048x8xf32> to vector<2048xf32>
    %broadcast_in_dim3A_19 = vector.shape_cast %reduce_max3A_18 : vector<2048xf32> to vector<2048x1xf32>
    %iota3A = tpu.iota {dimensions = array<i32: 1>} : vector<2048x8xi32>
    %eq3A = vector.broadcast %broadcast_in_dim3A_19 : vector<2048x1xf32> to vector<2048x8xf32>
    %eq3A_20 = arith.cmpf oeq, %div3A_16, %eq3A : vector<2048x8xf32>
    %jit3A = arith.constant 8 : i32
    %broadcast_in_dim3A_21 = vector.broadcast %jit3A : i32 to vector<2048x8xi32>
    %select_n3A = arith.select %eq3A_20, %iota3A, %broadcast_in_dim3A_21 : vector<2048x8xi1>, vector<2048x8xi32>
    %reduce_min3A = arith.constant dense<2147483647> : vector<2048xi32>
    %reduce_min3A_22 = vector.multi_reduction <minsi>, %select_n3A, %reduce_min3A [1] : vector<2048x8xi32> to vector<2048xi32>
    %broadcast_in_dim3A_23 = vector.shape_cast %reduce_min3A_22 : vector<2048xi32> to vector<2048x1xi32>
    %eq3A_24 = vector.broadcast %broadcast_in_dim3A_23 : vector<2048x1xi32> to vector<2048x8xi32>
    %eq3A_25 = arith.cmpi eq, %iota3A, %eq3A_24 : vector<2048x8xi32>
    %convert_element_type3A = arith.extui %eq3A_25 : vector<2048x8xi1> to vector<2048x8xi32>
    %convert_element_type3A_26 = arith.sitofp %convert_element_type3A : vector<2048x8xi32> to vector<2048x8xf32>
    %mul3A = arith.mulf %div3A_16, %convert_element_type3A_26 : vector<2048x8xf32>
    %reduce_sum3A_27 = arith.constant dense<0.000000e+00> : vector<8xf32>
    %reduce_sum3A_28 = vector.multi_reduction <add>, %mul3A, %reduce_sum3A_27 [0] : vector<2048x8xf32> to vector<8xf32>
    %broadcast_in_dim3A_29 = vector.shape_cast %reduce_sum3A_28 : vector<8xf32> to vector<1x8xf32>
    %reduce_sum3A_30 = arith.constant dense<0.000000e+00> : vector<8xf32>
    %reduce_sum3A_31 = vector.multi_reduction <add>, %convert_element_type3A_26, %reduce_sum3A_30 [0] : vector<2048x8xf32> to vector<8xf32>
    %broadcast_in_dim3A_32 = vector.shape_cast %reduce_sum3A_31 : vector<8xf32> to vector<1x8xf32>
    %convert_element_type3A_33 = arith.fptosi %broadcast_in_dim3A_32 : vector<1x8xf32> to vector<1x8xi32>
    %add3A_34 = arith.constant 127 : i32
    %add3A_35 = vector.broadcast %add3A_34 : i32 to vector<1x8xi32>
    %add3A_36 = arith.addi %convert_element_type3A_33, %add3A_35 : vector<1x8xi32>
    %jit3A_37 = arith.constant 128 : i32
    %div3A_38 = vector.broadcast %jit3A_37 : i32 to vector<1x8xi32>
    %div3A_39 = arith.divsi %add3A_36, %div3A_38 : vector<1x8xi32>
    %sign3A = arith.constant 0 : i32
    %sign3A_40 = vector.broadcast %sign3A : i32 to vector<1x8xi32>
    %sign3A_41 = arith.cmpi sgt, %add3A_36, %sign3A_40 : vector<1x8xi32>
    %sign3A_42 = arith.extui %sign3A_41 : vector<1x8xi1> to vector<1x8xi32>
    %sign3A_43 = arith.constant 0 : i32
    %sign3A_44 = vector.broadcast %sign3A_43 : i32 to vector<1x8xi32>
    %sign3A_45 = arith.cmpi slt, %add3A_36, %sign3A_44 : vector<1x8xi32>
    %sign3A_46 = arith.extui %sign3A_45 : vector<1x8xi1> to vector<1x8xi32>
    %sign3A_47 = arith.subi %sign3A_42, %sign3A_46 : vector<1x8xi32>
    %sign3A_48 = arith.constant 0 : i32
    %sign3A_49 = arith.cmpi sgt, %jit3A_37, %sign3A_48 : i32
    %sign3A_50 = arith.extui %sign3A_49 : i1 to i32
    %sign3A_51 = arith.constant 0 : i32
    %sign3A_52 = arith.cmpi slt, %jit3A_37, %sign3A_51 : i32
    %sign3A_53 = arith.extui %sign3A_52 : i1 to i32
    %sign3A_54 = arith.subi %sign3A_50, %sign3A_53 : i32
    %ne3A = vector.broadcast %sign3A_54 : i32 to vector<1x8xi32>
    %ne3A_55 = arith.cmpi ne, %sign3A_47, %ne3A : vector<1x8xi32>
    %rem3A = vector.broadcast %jit3A_37 : i32 to vector<1x8xi32>
    %rem3A_56 = arith.remsi %add3A_36, %rem3A : vector<1x8xi32>
    %ne3A_57 = arith.constant 0 : i32
    %ne3A_58 = vector.broadcast %ne3A_57 : i32 to vector<1x8xi32>
    %ne3A_59 = arith.cmpi ne, %rem3A_56, %ne3A_58 : vector<1x8xi32>
    %and3A = arith.andi %ne3A_55, %ne3A_59 : vector<1x8xi1>
    %sub3A_60 = arith.constant 1 : i32
    %sub3A_61 = vector.broadcast %sub3A_60 : i32 to vector<1x8xi32>
    %sub3A_62 = arith.subi %div3A_39, %sub3A_61 : vector<1x8xi32>
    %select_n3A_63 = arith.select %and3A, %sub3A_62, %div3A_39 : vector<1x8xi1>, vector<1x8xi32>
    %mul3A_64 = arith.constant 128 : i32
    %mul3A_65 = vector.broadcast %mul3A_64 : i32 to vector<1x8xi32>
    %mul3A_66 = arith.muli %select_n3A_63, %mul3A_65 : vector<1x8xi32>
    %convert_element_type3A_67 = arith.sitofp %mul3A_66 : vector<1x8xi32> to vector<1x8xf32>
    %iota3A_68 = tpu.iota {dimensions = array<i32: 0>} : vector<8x8xi32>
    %iota3A_69 = tpu.iota {dimensions = array<i32: 1>} : vector<8x8xi32>
    %lt3A = arith.cmpi slt, %iota3A_68, %iota3A_69 : vector<8x8xi32>
    %convert_element_type3A_70 = arith.extui %lt3A : vector<8x8xi1> to vector<8x8xi32>
    %convert_element_type3A_71 = arith.sitofp %convert_element_type3A_70 : vector<8x8xi32> to vector<8x8xf32>
    %dot_general3A_72 = arith.constant dense<0.000000e+00> : vector<1x8xf32>
    %dot_general3A_73 = tpu.matmul %convert_element_type3A_67, %convert_element_type3A_71, %dot_general3A_72 {dimension_numbers = #tpu.dot_dimension_numbers<[1], [0], [0], [1], [0, 0, 1, 1], [], []>, transpose_lhs_hint = false} : vector<1x8xf32>, vector<8x8xf32>, vector<1x8xf32> -> vector<1x8xf32>
    %broadcast_in_dim3A_74 = arith.constant 0.000000e+00 : f32
    %broadcast_in_dim3A_75 = vector.broadcast %broadcast_in_dim3A_74 : f32 to vector<1x8xf32>
    %slice3A = vector.extract_strided_slice %convert_element_type3A_26 {offsets = [0, 0], sizes = [2047, 8], strides = [1, 1]} : vector<2048x8xf32> to vector<2047x8xf32>
    %concatenate3A = tpu.concatenate %broadcast_in_dim3A_75, %slice3A in 0 : vector<1x8xf32>, vector<2047x8xf32> -> vector<2048x8xf32>
    %broadcast_in_dim3A_76 = arith.constant 0.000000e+00 : f32
    %broadcast_in_dim3A_77 = vector.broadcast %broadcast_in_dim3A_76 : f32 to vector<1x8xf32>
    %slice3A_78 = vector.extract_strided_slice %concatenate3A {offsets = [0, 0], sizes = [2047, 8], strides = [1, 1]} : vector<2048x8xf32> to vector<2047x8xf32>
    %concatenate3A_79 = tpu.concatenate %broadcast_in_dim3A_77, %slice3A_78 in 0 : vector<1x8xf32>, vector<2047x8xf32> -> vector<2048x8xf32>
    %add3A_80 = arith.addf %concatenate3A, %concatenate3A_79 : vector<2048x8xf32>
    %broadcast_in_dim3A_81 = arith.constant 0.000000e+00 : f32
    %broadcast_in_dim3A_82 = vector.broadcast %broadcast_in_dim3A_81 : f32 to vector<2x8xf32>
    %slice3A_83 = vector.extract_strided_slice %add3A_80 {offsets = [0, 0], sizes = [2046, 8], strides = [1, 1]} : vector<2048x8xf32> to vector<2046x8xf32>
    %concatenate3A_84 = tpu.concatenate %broadcast_in_dim3A_82, %slice3A_83 in 0 : vector<2x8xf32>, vector<2046x8xf32> -> vector<2048x8xf32>
    %add3A_85 = arith.addf %add3A_80, %concatenate3A_84 : vector<2048x8xf32>
    %broadcast_in_dim3A_86 = arith.constant 0.000000e+00 : f32
    %broadcast_in_dim3A_87 = vector.broadcast %broadcast_in_dim3A_86 : f32 to vector<4x8xf32>
    %slice3A_88 = vector.extract_strided_slice %add3A_85 {offsets = [0, 0], sizes = [2044, 8], strides = [1, 1]} : vector<2048x8xf32> to vector<2044x8xf32>
    %concatenate3A_89 = tpu.concatenate %broadcast_in_dim3A_87, %slice3A_88 in 0 : vector<4x8xf32>, vector<2044x8xf32> -> vector<2048x8xf32>
    %add3A_90 = arith.addf %add3A_85, %concatenate3A_89 : vector<2048x8xf32>
    %broadcast_in_dim3A_91 = arith.constant 0.000000e+00 : f32
    %broadcast_in_dim3A_92 = vector.broadcast %broadcast_in_dim3A_91 : f32 to vector<8x8xf32>
    %slice3A_93 = vector.extract_strided_slice %add3A_90 {offsets = [0, 0], sizes = [2040, 8], strides = [1, 1]} : vector<2048x8xf32> to vector<2040x8xf32>
    %concatenate3A_94 = tpu.concatenate %broadcast_in_dim3A_92, %slice3A_93 in 0 : vector<8x8xf32>, vector<2040x8xf32> -> vector<2048x8xf32>
    %add3A_95 = arith.addf %add3A_90, %concatenate3A_94 : vector<2048x8xf32>
    %broadcast_in_dim3A_96 = arith.constant 0.000000e+00 : f32
    %broadcast_in_dim3A_97 = vector.broadcast %broadcast_in_dim3A_96 : f32 to vector<16x8xf32>
    %slice3A_98 = vector.extract_strided_slice %add3A_95 {offsets = [0, 0], sizes = [2032, 8], strides = [1, 1]} : vector<2048x8xf32> to vector<2032x8xf32>
    %concatenate3A_99 = tpu.concatenate %broadcast_in_dim3A_97, %slice3A_98 in 0 : vector<16x8xf32>, vector<2032x8xf32> -> vector<2048x8xf32>
    %add3A_100 = arith.addf %add3A_95, %concatenate3A_99 : vector<2048x8xf32>
    %broadcast_in_dim3A_101 = arith.constant 0.000000e+00 : f32
    %broadcast_in_dim3A_102 = vector.broadcast %broadcast_in_dim3A_101 : f32 to vector<32x8xf32>
    %slice3A_103 = vector.extract_strided_slice %add3A_100 {offsets = [0, 0], sizes = [2016, 8], strides = [1, 1]} : vector<2048x8xf32> to vector<2016x8xf32>
    %concatenate3A_104 = tpu.concatenate %broadcast_in_dim3A_102, %slice3A_103 in 0 : vector<32x8xf32>, vector<2016x8xf32> -> vector<2048x8xf32>
    %add3A_105 = arith.addf %add3A_100, %concatenate3A_104 : vector<2048x8xf32>
    %broadcast_in_dim3A_106 = arith.constant 0.000000e+00 : f32
    %broadcast_in_dim3A_107 = vector.broadcast %broadcast_in_dim3A_106 : f32 to vector<64x8xf32>
    %slice3A_108 = vector.extract_strided_slice %add3A_105 {offsets = [0, 0], sizes = [1984, 8], strides = [1, 1]} : vector<2048x8xf32> to vector<1984x8xf32>
    %concatenate3A_109 = tpu.concatenate %broadcast_in_dim3A_107, %slice3A_108 in 0 : vector<64x8xf32>, vector<1984x8xf32> -> vector<2048x8xf32>
    %add3A_110 = arith.addf %add3A_105, %concatenate3A_109 : vector<2048x8xf32>
    %broadcast_in_dim3A_111 = arith.constant 0.000000e+00 : f32
    %broadcast_in_dim3A_112 = vector.broadcast %broadcast_in_dim3A_111 : f32 to vector<128x8xf32>
    %slice3A_113 = vector.extract_strided_slice %add3A_110 {offsets = [0, 0], sizes = [1920, 8], strides = [1, 1]} : vector<2048x8xf32> to vector<1920x8xf32>
    %concatenate3A_114 = tpu.concatenate %broadcast_in_dim3A_112, %slice3A_113 in 0 : vector<128x8xf32>, vector<1920x8xf32> -> vector<2048x8xf32>
    %add3A_115 = arith.addf %add3A_110, %concatenate3A_114 : vector<2048x8xf32>
    %broadcast_in_dim3A_116 = arith.constant 0.000000e+00 : f32
    %broadcast_in_dim3A_117 = vector.broadcast %broadcast_in_dim3A_116 : f32 to vector<256x8xf32>
    %slice3A_118 = vector.extract_strided_slice %add3A_115 {offsets = [0, 0], sizes = [1792, 8], strides = [1, 1]} : vector<2048x8xf32> to vector<1792x8xf32>
    %concatenate3A_119 = tpu.concatenate %broadcast_in_dim3A_117, %slice3A_118 in 0 : vector<256x8xf32>, vector<1792x8xf32> -> vector<2048x8xf32>
    %add3A_120 = arith.addf %add3A_115, %concatenate3A_119 : vector<2048x8xf32>
    %broadcast_in_dim3A_121 = arith.constant 0.000000e+00 : f32
    %broadcast_in_dim3A_122 = vector.broadcast %broadcast_in_dim3A_121 : f32 to vector<512x8xf32>
    %slice3A_123 = vector.extract_strided_slice %add3A_120 {offsets = [0, 0], sizes = [1536, 8], strides = [1, 1]} : vector<2048x8xf32> to vector<1536x8xf32>
    %concatenate3A_124 = tpu.concatenate %broadcast_in_dim3A_122, %slice3A_123 in 0 : vector<512x8xf32>, vector<1536x8xf32> -> vector<2048x8xf32>
    %add3A_125 = arith.addf %add3A_120, %concatenate3A_124 : vector<2048x8xf32>
    %broadcast_in_dim3A_126 = arith.constant 0.000000e+00 : f32
    %broadcast_in_dim3A_127 = vector.broadcast %broadcast_in_dim3A_126 : f32 to vector<1024x8xf32>
    %slice3A_128 = vector.extract_strided_slice %add3A_125 {offsets = [0, 0], sizes = [1024, 8], strides = [1, 1]} : vector<2048x8xf32> to vector<1024x8xf32>
    %concatenate3A_129 = tpu.concatenate %broadcast_in_dim3A_127, %slice3A_128 in 0 : vector<1024x8xf32>, vector<1024x8xf32> -> vector<2048x8xf32>
    %add3A_130 = arith.addf %add3A_125, %concatenate3A_129 : vector<2048x8xf32>
    %mul3A_131 = arith.mulf %add3A_130, %convert_element_type3A_26 : vector<2048x8xf32>
    %reduce_sum3A_132 = arith.constant dense<0.000000e+00> : vector<2048xf32>
    %reduce_sum3A_133 = vector.multi_reduction <add>, %mul3A_131, %reduce_sum3A_132 [1] : vector<2048x8xf32> to vector<2048xf32>
    %broadcast_in_dim3A_134 = vector.shape_cast %reduce_sum3A_133 : vector<2048xf32> to vector<2048x1xf32>
    %mul3A_135 = vector.broadcast %dot_general3A_73 : vector<1x8xf32> to vector<2048x8xf32>
    %mul3A_136 = arith.mulf %mul3A_135, %convert_element_type3A_26 : vector<2048x8xf32>
    %reduce_sum3A_137 = arith.constant dense<0.000000e+00> : vector<2048xf32>
    %reduce_sum3A_138 = vector.multi_reduction <add>, %mul3A_136, %reduce_sum3A_137 [1] : vector<2048x8xf32> to vector<2048xf32>
    %broadcast_in_dim3A_139 = vector.shape_cast %reduce_sum3A_138 : vector<2048xf32> to vector<2048x1xf32>
    %mul3A_140 = vector.broadcast %broadcast_in_dim3A_29 : vector<1x8xf32> to vector<2048x8xf32>
    %mul3A_141 = arith.mulf %mul3A_140, %convert_element_type3A_26 : vector<2048x8xf32>
    %reduce_sum3A_142 = arith.constant dense<0.000000e+00> : vector<2048xf32>
    %reduce_sum3A_143 = vector.multi_reduction <add>, %mul3A_141, %reduce_sum3A_142 [1] : vector<2048x8xf32> to vector<2048xf32>
    %broadcast_in_dim3A_144 = vector.shape_cast %reduce_sum3A_143 : vector<2048xf32> to vector<2048x1xf32>
    %add3A_145 = arith.constant 9.99999997E-7 : f32
    %add3A_146 = vector.broadcast %add3A_145 : f32 to vector<2048x1xf32>
    %add3A_147 = arith.addf %broadcast_in_dim3A_144, %add3A_146 : vector<2048x1xf32>
    %div3A_148 = arith.divf %broadcast_in_dim3A_19, %add3A_147 : vector<2048x1xf32>
    %mul3A_149 = arith.constant 2.048000e+03 : f32
    %mul3A_150 = vector.broadcast %mul3A_149 : f32 to vector<2048x1xf32>
    %mul3A_151 = arith.mulf %div3A_148, %mul3A_150 : vector<2048x1xf32>
    %add3A_152 = arith.addf %broadcast_in_dim3A_139, %broadcast_in_dim3A_134 : vector<2048x1xf32>
    %convert_element_type3A_153 = arith.fptosi %add3A_152 : vector<2048x1xf32> to vector<2048x1xi32>
    %swap3A = arith.constant 0 : index
    %swap3A_154 = arith.constant 0 : index
    %swap3A_155 = vector.load %arg4[%swap3A, %swap3A_154] : memref<2048x1xi32, #tpu.memory_space<vmem>>, vector<2048x1xi32>
    tpu.vector_store %arg4[%swap3A, %swap3A_154], %convert_element_type3A_153 {strides = array<i32>} : memref<2048x1xi32, #tpu.memory_space<vmem>>, vector<2048x1xi32>,
    %mul3A_156 = vector.broadcast %mul3A_151 : vector<2048x1xf32> to vector<2048x1024xf32>
    %mul3A_157 = arith.mulf %get3A_1, %mul3A_156 : vector<2048x1024xf32>
    %swap3A_158 = arith.constant 0 : index
    %swap3A_159 = arith.constant 0 : index
    %swap3A_160 = vector.load %arg3[%swap3A_158, %swap3A_159] : memref<2048x1024xf32, #tpu.memory_space<vmem>>, vector<2048x1024xf32>
    tpu.vector_store %arg3[%swap3A_158, %swap3A_159], %mul3A_157 {strides = array<i32>} : memref<2048x1024xf32, #tpu.memory_space<vmem>>, vector<2048x1024xf32>,
    %add3A_161 = arith.addf %dot_general3A_73, %convert_element_type3A_67 : vector<1x8xf32>
    %iota3A_162 = tpu.iota {dimensions = array<i32: 0>} : vector<24x8xi32>
    %mul3A_163 = arith.constant 128 : i32
    %mul3A_164 = vector.broadcast %mul3A_163 : i32 to vector<24x8xi32>
    %mul3A_165 = arith.muli %iota3A_162, %mul3A_164 : vector<24x8xi32>
    %convert_element_type3A_166 = arith.sitofp %mul3A_165 : vector<24x8xi32> to vector<24x8xf32>
    %ge3A = vector.broadcast %add3A_161 : vector<1x8xf32> to vector<24x8xf32>
    %ge3A_167 = arith.cmpf oge, %convert_element_type3A_166, %ge3A : vector<24x8xf32>
    %convert_element_type3A_168 = arith.extui %ge3A_167 : vector<24x8xi1> to vector<24x8xi32>
    %reduce_sum3A_169 = arith.constant dense<0> : vector<24xi32>
    %reduce_sum3A_170 = vector.multi_reduction <add>, %convert_element_type3A_168, %reduce_sum3A_169 [1] : vector<24x8xi32> to vector<24xi32>
    %broadcast_in_dim3A_171 = vector.shape_cast %reduce_sum3A_170 : vector<24xi32> to vector<24x1xi32>
    %reduce_sum3A_172 = vector.shape_cast %mul3A_66 : vector<1x8xi32> to vector<1x1x8xi32>
    %reduce_sum3A_173 = arith.constant dense<0> : vector<1xi32>
    %reduce_sum3A_174 = vector.multi_reduction <add>, %reduce_sum3A_172, %reduce_sum3A_173 [1, 2] : vector<1x1x8xi32> to vector<1xi32>
    %reduce_sum3A_175 = vector.shape_cast %reduce_sum3A_174 : vector<1xi32> to vector<1x1x1xi32>
    %reduce_sum3A_176 = vector.extract %reduce_sum3A_175[0, 0, 0] : i32 from vector<1x1x1xi32>
    %iota3A_177 = tpu.iota {dimensions = array<i32: 0>} : vector<24x1xi32>
    %mul3A_178 = arith.constant 128 : i32
    %mul3A_179 = vector.broadcast %mul3A_178 : i32 to vector<24x1xi32>
    %mul3A_180 = arith.muli %iota3A_177, %mul3A_179 : vector<24x1xi32>
    %lt3A_181 = vector.broadcast %reduce_sum3A_176 : i32 to vector<24x1xi32>
    %lt3A_182 = arith.cmpi slt, %mul3A_180, %lt3A_181 : vector<24x1xi32>
    %convert_element_type3A_183 = arith.extui %lt3A_182 : vector<24x1xi1> to vector<24x1xi32>
    %eq3A_184 = arith.constant 1 : i32
    %eq3A_185 = vector.broadcast %eq3A_184 : i32 to vector<24x1xi32>
    %eq3A_186 = arith.cmpi eq, %convert_element_type3A_183, %eq3A_185 : vector<24x1xi32>
    %jit3A_187 = arith.constant 0 : i32
    %broadcast_in_dim3A_188 = vector.broadcast %jit3A_187 : i32 to vector<24x1xi32>
    %select_n3A_189 = arith.select %eq3A_186, %broadcast_in_dim3A_171, %broadcast_in_dim3A_188 : vector<24x1xi1>, vector<24x1xi32>
    %reduce_max3A_190 = vector.shape_cast %select_n3A_189 : vector<24x1xi32> to vector<1x24x1xi32>
    %reduce_max3A_191 = arith.constant dense<-2147483648> : vector<1xi32>
    %reduce_max3A_192 = vector.multi_reduction <maxsi>, %reduce_max3A_190, %reduce_max3A_191 [1, 2] : vector<1x24x1xi32> to vector<1xi32>
    %reduce_max3A_193 = vector.shape_cast %reduce_max3A_192 : vector<1xi32> to vector<1x1x1xi32>
    %reduce_max3A_194 = vector.extract %reduce_max3A_193[0, 0, 0] : i32 from vector<1x1x1xi32>
    %min3A = vector.broadcast %reduce_max3A_194 : i32 to vector<24x1xi32>
    %min3A_195 = arith.minsi %broadcast_in_dim3A_171, %min3A : vector<24x1xi32>
    %swap3A_196 = arith.constant 0 : index
    %swap3A_197 = arith.constant 0 : index
    %swap3A_198 = vector.load %arg5[%swap3A_196, %swap3A_197] : memref<24x1xi32, #tpu.memory_space<vmem>>, vector<24x1xi32>
    tpu.vector_store %arg5[%swap3A_196, %swap3A_197], %min3A_195 {strides = array<i32>} : memref<24x1xi32, #tpu.memory_space<vmem>>, vector<24x1xi32>,
    %swap3A_199 = arith.constant 0 : index
    %swap3A_200 = arith.constant 0 : index
    %swap3A_201 = vector.load %arg6[%swap3A_199, %swap3A_200] : memref<24x1xi32, #tpu.memory_space<vmem>>, vector<24x1xi32>
    tpu.vector_store %arg6[%swap3A_199, %swap3A_200], %convert_element_type3A_183 {strides = array<i32>} : memref<24x1xi32, #tpu.memory_space<vmem>>, vector<24x1xi32>,
    %iota3A_202 = tpu.iota {dimensions = array<i32: 0>} : vector<24x24xi32>
    %iota3A_203 = tpu.iota {dimensions = array<i32: 1>} : vector<24x24xi32>
    %eq3A_204 = arith.cmpi eq, %iota3A_202, %iota3A_203 : vector<24x24xi32>
    %convert_element_type3A_205 = arith.extui %eq3A_204 : vector<24x24xi1> to vector<24x24xi32>
    %convert_element_type3A_206 = arith.sitofp %convert_element_type3A_205 : vector<24x24xi32> to vector<24x24xf32>
    %convert_element_type3A_207 = arith.sitofp %min3A_195 : vector<24x1xi32> to vector<24x1xf32>
    %dot_general3A_208 = arith.constant dense<0.000000e+00> : vector<1x24xf32>
    %dot_general3A_209 = tpu.matmul %convert_element_type3A_207, %convert_element_type3A_206, %dot_general3A_208 {dimension_numbers = #tpu.dot_dimension_numbers<[0], [0], [1], [1], [0, 1, 1, 1], [], []>, transpose_lhs_hint = false} : vector<24x1xf32>, vector<24x24xf32>, vector<1x24xf32> -> vector<1x24xf32>
    %concatenate3A_210 = tpu.concatenate %dot_general3A_209, %dot_general3A_209 in 1 : vector<1x24xf32>, vector<1x24xf32> -> vector<1x48xf32>
    %iota3A_211 = tpu.iota {dimensions = array<i32: 1>} : vector<1x48xi32>
    %jit3A_212 = arith.constant 24 : i32
    %div3A_213 = vector.broadcast %jit3A_212 : i32 to vector<1x48xi32>
    %div3A_214 = arith.divsi %iota3A_211, %div3A_213 : vector<1x48xi32>
    %sign3A_215 = arith.constant 0 : i32
    %sign3A_216 = vector.broadcast %sign3A_215 : i32 to vector<1x48xi32>
    %sign3A_217 = arith.cmpi sgt, %iota3A_211, %sign3A_216 : vector<1x48xi32>
    %sign3A_218 = arith.extui %sign3A_217 : vector<1x48xi1> to vector<1x48xi32>
    %sign3A_219 = arith.constant 0 : i32
    %sign3A_220 = vector.broadcast %sign3A_219 : i32 to vector<1x48xi32>
    %sign3A_221 = arith.cmpi slt, %iota3A_211, %sign3A_220 : vector<1x48xi32>
    %sign3A_222 = arith.extui %sign3A_221 : vector<1x48xi1> to vector<1x48xi32>
    %sign3A_223 = arith.subi %sign3A_218, %sign3A_222 : vector<1x48xi32>
    %sign3A_224 = arith.constant 0 : i32
    %sign3A_225 = arith.cmpi sgt, %jit3A_212, %sign3A_224 : i32
    %sign3A_226 = arith.extui %sign3A_225 : i1 to i32
    %sign3A_227 = arith.constant 0 : i32
    %sign3A_228 = arith.cmpi slt, %jit3A_212, %sign3A_227 : i32
    %sign3A_229 = arith.extui %sign3A_228 : i1 to i32
    %sign3A_230 = arith.subi %sign3A_226, %sign3A_229 : i32
    %ne3A_231 = vector.broadcast %sign3A_230 : i32 to vector<1x48xi32>
    %ne3A_232 = arith.cmpi ne, %sign3A_223, %ne3A_231 : vector<1x48xi32>
    %rem3A_233 = vector.broadcast %jit3A_212 : i32 to vector<1x48xi32>
    %rem3A_234 = arith.remsi %iota3A_211, %rem3A_233 : vector<1x48xi32>
    %ne3A_235 = arith.constant 0 : i32
    %ne3A_236 = vector.broadcast %ne3A_235 : i32 to vector<1x48xi32>
    %ne3A_237 = arith.cmpi ne, %rem3A_234, %ne3A_236 : vector<1x48xi32>
    %and3A_238 = arith.andi %ne3A_232, %ne3A_237 : vector<1x48xi1>
    %sub3A_239 = arith.constant 1 : i32
    %sub3A_240 = vector.broadcast %sub3A_239 : i32 to vector<1x48xi32>
    %sub3A_241 = arith.subi %div3A_214, %sub3A_240 : vector<1x48xi32>
    %select_n3A_242 = arith.select %and3A_238, %sub3A_241, %div3A_214 : vector<1x48xi1>, vector<1x48xi32>
    %convert_element_type3A_243 = arith.sitofp %select_n3A_242 : vector<1x48xi32> to vector<1x48xf32>
    %slice3A_244 = vector.extract_strided_slice %concatenate3A_210 {offsets = [0, 0], sizes = [1, 1], strides = [1, 1]} : vector<1x48xf32> to vector<1x1xf32>
    %slice3A_245 = vector.extract_strided_slice %concatenate3A_210 {offsets = [0, 0], sizes = [1, 47], strides = [1, 1]} : vector<1x48xf32> to vector<1x47xf32>
    %concatenate3A_246 = tpu.concatenate %slice3A_244, %slice3A_245 in 1 : vector<1x1xf32>, vector<1x47xf32> -> vector<1x48xf32>
    %slice3A_247 = vector.extract_strided_slice %convert_element_type3A_243 {offsets = [0, 0], sizes = [1, 1], strides = [1, 1]} : vector<1x48xf32> to vector<1x1xf32>
    %slice3A_248 = vector.extract_strided_slice %convert_element_type3A_243 {offsets = [0, 0], sizes = [1, 47], strides = [1, 1]} : vector<1x48xf32> to vector<1x47xf32>
    %concatenate3A_249 = tpu.concatenate %slice3A_247, %slice3A_248 in 1 : vector<1x1xf32>, vector<1x47xf32> -> vector<1x48xf32>
    %eq3A_250 = arith.constant 0 : i32
    %eq3A_251 = vector.broadcast %eq3A_250 : i32 to vector<1x48xi32>
    %eq3A_252 = arith.cmpi eq, %iota3A_211, %eq3A_251 : vector<1x48xi32>
    %ne3A_253 = arith.cmpf one, %concatenate3A_210, %concatenate3A_246 : vector<1x48xf32>
    %or3A = arith.ori %eq3A_252, %ne3A_253 : vector<1x48xi1>
    %ne3A_254 = arith.cmpf one, %convert_element_type3A_243, %concatenate3A_249 : vector<1x48xf32>
    %or3A_255 = arith.ori %or3A, %ne3A_254 : vector<1x48xi1>
    %jit3A_256 = arith.constant 1.000000e+00 : f32
    %jit3A_257 = arith.constant 0.000000e+00 : f32
    %broadcast_in_dim3A_258 = vector.broadcast %jit3A_256 : f32 to vector<1x48xf32>
    %broadcast_in_dim3A_259 = vector.broadcast %jit3A_257 : f32 to vector<1x48xf32>
    %select_n3A_260 = arith.select %or3A_255, %broadcast_in_dim3A_258, %broadcast_in_dim3A_259 : vector<1x48xi1>, vector<1x48xf32>
    %iota3A_261 = tpu.iota {dimensions = array<i32: 0>} : vector<48x48xi32>
    %iota3A_262 = tpu.iota {dimensions = array<i32: 1>} : vector<48x48xi32>
    %le3A = arith.cmpi sle, %iota3A_261, %iota3A_262 : vector<48x48xi32>
    %convert_element_type3A_263 = arith.extui %le3A : vector<48x48xi1> to vector<48x48xi32>
    %convert_element_type3A_264 = arith.sitofp %convert_element_type3A_263 : vector<48x48xi32> to vector<48x48xf32>
    %dot_general3A_265 = arith.constant dense<0.000000e+00> : vector<1x48xf32>
    %dot_general3A_266 = tpu.matmul %select_n3A_260, %convert_element_type3A_264, %dot_general3A_265 {dimension_numbers = #tpu.dot_dimension_numbers<[1], [0], [0], [1], [0, 0, 1, 1], [], []>, transpose_lhs_hint = false} : vector<1x48xf32>, vector<48x48xf32>, vector<1x48xf32> -> vector<1x48xf32>
    %sub3A_267 = arith.constant 1.000000e+00 : f32
    %sub3A_268 = vector.broadcast %sub3A_267 : f32 to vector<1x48xf32>
    %sub3A_269 = arith.subf %dot_general3A_266, %sub3A_268 : vector<1x48xf32>
    %convert_element_type3A_270 = arith.fptosi %sub3A_269 : vector<1x48xf32> to vector<1x48xi32>
    %jit3A_271 = arith.constant 2 : i32
    %div3A_272 = vector.broadcast %jit3A_271 : i32 to vector<1x48xi32>
    %div3A_273 = arith.divsi %convert_element_type3A_270, %div3A_272 : vector<1x48xi32>
    %sign3A_274 = arith.constant 0 : i32
    %sign3A_275 = vector.broadcast %sign3A_274 : i32 to vector<1x48xi32>
    %sign3A_276 = arith.cmpi sgt, %convert_element_type3A_270, %sign3A_275 : vector<1x48xi32>
    %sign3A_277 = arith.extui %sign3A_276 : vector<1x48xi1> to vector<1x48xi32>
    %sign3A_278 = arith.constant 0 : i32
    %sign3A_279 = vector.broadcast %sign3A_278 : i32 to vector<1x48xi32>
    %sign3A_280 = arith.cmpi slt, %convert_element_type3A_270, %sign3A_279 : vector<1x48xi32>
    %sign3A_281 = arith.extui %sign3A_280 : vector<1x48xi1> to vector<1x48xi32>
    %sign3A_282 = arith.subi %sign3A_277, %sign3A_281 : vector<1x48xi32>
    %sign3A_283 = arith.constant 0 : i32
    %sign3A_284 = arith.cmpi sgt, %jit3A_271, %sign3A_283 : i32
    %sign3A_285 = arith.extui %sign3A_284 : i1 to i32
    %sign3A_286 = arith.constant 0 : i32
    %sign3A_287 = arith.cmpi slt, %jit3A_271, %sign3A_286 : i32
    %sign3A_288 = arith.extui %sign3A_287 : i1 to i32
    %sign3A_289 = arith.subi %sign3A_285, %sign3A_288 : i32
    %ne3A_290 = vector.broadcast %sign3A_289 : i32 to vector<1x48xi32>
    %ne3A_291 = arith.cmpi ne, %sign3A_282, %ne3A_290 : vector<1x48xi32>
    %rem3A_292 = vector.broadcast %jit3A_271 : i32 to vector<1x48xi32>
    %rem3A_293 = arith.remsi %convert_element_type3A_270, %rem3A_292 : vector<1x48xi32>
    %ne3A_294 = arith.constant 0 : i32
    %ne3A_295 = vector.broadcast %ne3A_294 : i32 to vector<1x48xi32>
    %ne3A_296 = arith.cmpi ne, %rem3A_293, %ne3A_295 : vector<1x48xi32>
    %and3A_297 = arith.andi %ne3A_291, %ne3A_296 : vector<1x48xi1>
    %sub3A_298 = arith.constant 1 : i32
    %sub3A_299 = vector.broadcast %sub3A_298 : i32 to vector<1x48xi32>
    %sub3A_300 = arith.subi %div3A_273, %sub3A_299 : vector<1x48xi32>
    %select_n3A_301 = arith.select %and3A_297, %sub3A_300, %div3A_273 : vector<1x48xi1>, vector<1x48xi32>
    %mul3A_302 = arith.constant 2 : i32
    %mul3A_303 = vector.broadcast %mul3A_302 : i32 to vector<1x48xi32>
    %mul3A_304 = arith.muli %mul3A_303, %select_n3A_301 : vector<1x48xi32>
    %sub3A_305 = arith.subi %convert_element_type3A_270, %mul3A_304 : vector<1x48xi32>
    %eq3A_306 = arith.cmpi eq, %iota3A_261, %iota3A_262 : vector<48x48xi32>
    %convert_element_type3A_307 = arith.extui %eq3A_306 : vector<48x48xi1> to vector<48x48xi32>
    %convert_element_type3A_308 = arith.sitofp %convert_element_type3A_307 : vector<48x48xi32> to vector<48x48xf32>
    %dot_general3A_309 = arith.constant dense<0.000000e+00> : vector<48x1xf32>
    %dot_general3A_310 = tpu.matmul %convert_element_type3A_308, %select_n3A_260, %dot_general3A_309 {dimension_numbers = #tpu.dot_dimension_numbers<[1], [1], [0], [0], [0, 0, 1, 0], [], []>, transpose_lhs_hint = false} : vector<48x48xf32>, vector<1x48xf32>, vector<48x1xf32> -> vector<48x1xf32>
    %gt3A = arith.cmpi sgt, %iota3A_261, %iota3A_262 : vector<48x48xi32>
    %eq3A_311 = arith.constant 1.000000e+00 : f32
    %eq3A_312 = vector.broadcast %eq3A_311 : f32 to vector<48x1xf32>
    %eq3A_313 = arith.cmpf oeq, %dot_general3A_310, %eq3A_312 : vector<48x1xf32>
    %and3A_314 = vector.broadcast %eq3A_313 : vector<48x1xi1> to vector<48x48xi1>
    %and3A_315 = arith.andi %gt3A, %and3A_314 : vector<48x48xi1>
    %jit3A_316 = arith.constant 48 : i32
    %broadcast_in_dim3A_317 = vector.broadcast %jit3A_316 : i32 to vector<48x48xi32>
    %select_n3A_318 = arith.select %and3A_315, %iota3A_261, %broadcast_in_dim3A_317 : vector<48x48xi1>, vector<48x48xi32>
    %reduce_min3A_319 = arith.constant dense<2147483647> : vector<48xi32>
    %reduce_min3A_320 = vector.multi_reduction <minsi>, %select_n3A_318, %reduce_min3A_319 [0] : vector<48x48xi32> to vector<48xi32>
    %broadcast_in_dim3A_321 = vector.shape_cast %reduce_min3A_320 : vector<48xi32> to vector<1x48xi32>
    %lt3A_322 = arith.constant 48 : i32
    %lt3A_323 = vector.broadcast %lt3A_322 : i32 to vector<1x48xi32>
    %lt3A_324 = arith.cmpi slt, %broadcast_in_dim3A_321, %lt3A_323 : vector<1x48xi32>
    %convert_element_type3A_325 = arith.extui %lt3A_324 : vector<1x48xi1> to vector<1x48xi32>
    %min3A_326 = arith.constant 47 : i32
    %min3A_327 = vector.broadcast %min3A_326 : i32 to vector<1x48xi32>
    %min3A_328 = arith.minsi %broadcast_in_dim3A_321, %min3A_327 : vector<1x48xi32>
    %eq3A_329 = vector.broadcast %min3A_328 : vector<1x48xi32> to vector<48x48xi32>
    %eq3A_330 = arith.cmpi eq, %iota3A_261, %eq3A_329 : vector<48x48xi32>
    %convert_element_type3A_331 = arith.extui %eq3A_330 : vector<48x48xi1> to vector<48x48xi32>
    %convert_element_type3A_332 = arith.sitofp %convert_element_type3A_331 : vector<48x48xi32> to vector<48x48xf32>
    %dot_general3A_333 = arith.constant dense<0.000000e+00> : vector<1x48xf32>
    %dot_general3A_334 = tpu.matmul %concatenate3A_210, %convert_element_type3A_332, %dot_general3A_333 {dimension_numbers = #tpu.dot_dimension_numbers<[1], [0], [0], [1], [0, 0, 1, 1], [], []>, transpose_lhs_hint = false} : vector<1x48xf32>, vector<48x48xf32>, vector<1x48xf32> -> vector<1x48xf32>
    %dot_general3A_335 = arith.constant dense<0.000000e+00> : vector<1x48xf32>
    %dot_general3A_336 = tpu.matmul %convert_element_type3A_243, %convert_element_type3A_332, %dot_general3A_335 {dimension_numbers = #tpu.dot_dimension_numbers<[1], [0], [0], [1], [0, 0, 1, 1], [], []>, transpose_lhs_hint = false} : vector<1x48xf32>, vector<48x48xf32>, vector<1x48xf32> -> vector<1x48xf32>
    %convert_element_type3A_337 = arith.fptosi %select_n3A_260 : vector<1x48xf32> to vector<1x48xi32>
    %convert_element_type3A_338 = arith.fptosi %concatenate3A_210 : vector<1x48xf32> to vector<1x48xi32>
    %convert_element_type3A_339 = arith.fptosi %convert_element_type3A_243 : vector<1x48xf32> to vector<1x48xi32>
    %convert_element_type3A_340 = arith.fptosi %dot_general3A_334 : vector<1x48xf32> to vector<1x48xi32>
    %convert_element_type3A_341 = arith.fptosi %dot_general3A_336 : vector<1x48xf32> to vector<1x48xi32>
    %concatenate3A_342 = tpu.concatenate %convert_element_type3A_337, %sub3A_305, %convert_element_type3A_338, %convert_element_type3A_339, %convert_element_type3A_340, %convert_element_type3A_341, %convert_element_type3A_325 in 0 : vector<1x48xi32>, vector<1x48xi32>, vector<1x48xi32>, vector<1x48xi32>, vector<1x48xi32>, vector<1x48xi32>, vector<1x48xi32> -> vector<7x48xi32>
    %swap3A_343 = arith.constant 0 : index
    %swap3A_344 = arith.constant 0 : index
    %swap3A_345 = vector.load %arg7[%swap3A_343, %swap3A_344] : memref<7x48xi32, #tpu.memory_space<vmem>>, vector<7x48xi32>
    tpu.vector_store %arg7[%swap3A_343, %swap3A_344], %concatenate3A_342 {strides = array<i32>} : memref<7x48xi32, #tpu.memory_space<vmem>>, vector<7x48xi32>,
    return
  }
}

module attributes {stable_mosaic.version = 14 : i64} {
  func.func @_ffn_body(%arg0: i32, %arg1: i32, %arg2: memref<7x48xi32, #tpu.memory_space<smem>>, %arg3: memref<24xi32, #tpu.memory_space<smem>>, %arg4: memref<128x1024xf32, #tpu.memory_space<vmem>>, %arg5: memref<8x1024x4096xf32, #tpu.memory_space<hbm>>, %arg6: memref<8x4096x1024xf32, #tpu.memory_space<hbm>>, %arg7: memref<128x1024xf32, #tpu.memory_space<vmem>>, %arg8: memref<3072x1024xf32, #tpu.memory_space<vmem>>, %arg9: memref<3072x1024xf32, #tpu.memory_space<vmem>>, %arg10: memref<2x1024x2048xf32, #tpu.memory_space<vmem>>, %arg11: memref<2x2048x1024xf32, #tpu.memory_space<vmem>>, %arg12: memref<2x4x!tpu.dma_semaphore, #tpu.memory_space<semaphore_mem>>, %arg13: memref<2x4x!tpu.dma_semaphore, #tpu.memory_space<semaphore_mem>>) attributes {dimension_semantics = [#tpu.dimension_semantics<arbitrary>, #tpu.dimension_semantics<arbitrary>], iteration_bounds = array<i64: 2, 24>, scalar_prefetch = 2 : i64, scratch_operands = 6 : i64, tpu.core_type = #tpu.core_type<tc>, window_params = [{transform_indices = @transform_0, window_bounds = array<i64: 128, 1024>}, {}, {}, {transform_indices = @transform_3, window_bounds = array<i64: 128, 1024>}]} {
    %mul3A = arith.constant 24 : i32
    %mul3A_0 = arith.muli %arg0, %mul3A : i32
    %add3A = arith.addi %mul3A_0, %arg1 : i32
    %get3A = arith.constant 0 : index
    %get3A_1 = arith.index_cast %add3A : i32 to index
    %get3A_2 = memref.load %arg2[%get3A, %get3A_1] : memref<7x48xi32, #tpu.memory_space<smem>>
    %get3A_3 = arith.constant 1 : index
    %get3A_4 = arith.index_cast %add3A : i32 to index
    %get3A_5 = memref.load %arg2[%get3A_3, %get3A_4] : memref<7x48xi32, #tpu.memory_space<smem>>
    %get3A_6 = arith.constant 2 : index
    %get3A_7 = arith.index_cast %add3A : i32 to index
    %get3A_8 = memref.load %arg2[%get3A_6, %get3A_7] : memref<7x48xi32, #tpu.memory_space<smem>>
    %get3A_9 = arith.constant 3 : index
    %get3A_10 = arith.index_cast %add3A : i32 to index
    %get3A_11 = memref.load %arg2[%get3A_9, %get3A_10] : memref<7x48xi32, #tpu.memory_space<smem>>
    %get3A_12 = arith.constant 4 : index
    %get3A_13 = arith.index_cast %add3A : i32 to index
    %get3A_14 = memref.load %arg2[%get3A_12, %get3A_13] : memref<7x48xi32, #tpu.memory_space<smem>>
    %get3A_15 = arith.constant 5 : index
    %get3A_16 = arith.index_cast %add3A : i32 to index
    %get3A_17 = memref.load %arg2[%get3A_15, %get3A_16] : memref<7x48xi32, #tpu.memory_space<smem>>
    %get3A_18 = arith.constant 6 : index
    %get3A_19 = arith.index_cast %add3A : i32 to index
    %get3A_20 = memref.load %arg2[%get3A_18, %get3A_19] : memref<7x48xi32, #tpu.memory_space<smem>>
    %eq3A = arith.constant 0 : i32
    %eq3A_21 = arith.cmpi eq, %add3A, %eq3A : i32
    %convert_element_type3A = arith.extui %eq3A_21 : i1 to i32
    %cond3A = arith.constant 0 : i32
    %cond3A_22 = arith.cmpi ne, %convert_element_type3A, %cond3A : i32
    scf.if %cond3A_22 {
      %mul3A_35 = arith.constant 2048 : i32
      %mul3A_36 = arith.muli %get3A_11, %mul3A_35 : i32
      %mul3A_37 = arith.constant 2048 : i32
      %mul3A_38 = arith.muli %get3A_11, %mul3A_37 : i32
      %add3A_39 = arith.constant 0 : i32
      %add3A_40 = arith.addi %mul3A_38, %add3A_39 : i32
      %mul3A_41 = arith.constant 2048 : i32
      %mul3A_42 = arith.muli %get3A_11, %mul3A_41 : i32
      %mul3A_43 = arith.constant 2048 : i32
      %mul3A_44 = arith.muli %get3A_11, %mul3A_43 : i32
      %add3A_45 = arith.constant 512 : i32
      %add3A_46 = arith.addi %mul3A_44, %add3A_45 : i32
      %mul3A_47 = arith.constant 2048 : i32
      %mul3A_48 = arith.muli %get3A_11, %mul3A_47 : i32
      %mul3A_49 = arith.constant 2048 : i32
      %mul3A_50 = arith.muli %get3A_11, %mul3A_49 : i32
      %add3A_51 = arith.constant 1024 : i32
      %add3A_52 = arith.addi %mul3A_50, %add3A_51 : i32
      %mul3A_53 = arith.constant 2048 : i32
      %mul3A_54 = arith.muli %get3A_11, %mul3A_53 : i32
      %mul3A_55 = arith.constant 2048 : i32
      %mul3A_56 = arith.muli %get3A_11, %mul3A_55 : i32
      %add3A_57 = arith.constant 1536 : i32
      %add3A_58 = arith.addi %mul3A_56, %add3A_57 : i32
      %dma_start3A = arith.constant 0 : i32
      %dma_start3A_59 = tpu.memref_slice %arg12[%get3A_5, %dma_start3A] : memref<2x4x!tpu.dma_semaphore, #tpu.memory_space<semaphore_mem>> -> memref<1x1x!tpu.dma_semaphore, #tpu.memory_space<semaphore_mem>>
      %dma_start3A_60 = tpu.memref_squeeze %dma_start3A_59 : memref<1x1x!tpu.dma_semaphore, #tpu.memory_space<semaphore_mem>> -> memref<!tpu.dma_semaphore, #tpu.memory_space<semaphore_mem>>
      %dma_start3A_61 = arith.constant 0 : i32
      %dma_start3A_62 = arith.constant 0 : i32
      %dma_start3A_63 = tpu.memref_slice %arg10[%get3A_5, %dma_start3A_61, %dma_start3A_62] : memref<2x1024x2048xf32, #tpu.memory_space<vmem>> -> memref<1x256x2048xf32, #tpu.memory_space<vmem>>
      %dma_start3A_64 = tpu.memref_squeeze %dma_start3A_63 : memref<1x256x2048xf32, #tpu.memory_space<vmem>> -> memref<256x2048xf32, #tpu.memory_space<vmem>>
      %dma_start3A_65 = arith.constant 0 : i32
      %dma_start3A_66 = tpu.memref_slice %arg5[%get3A_8, %dma_start3A_65, %mul3A_36] : memref<8x1024x4096xf32, #tpu.memory_space<hbm>> -> memref<1x256x2048xf32, #tpu.memory_space<hbm>>
      %dma_start3A_67 = tpu.memref_squeeze %dma_start3A_66 : memref<1x256x2048xf32, #tpu.memory_space<hbm>> -> memref<256x2048xf32, #tpu.memory_space<hbm>>
      tpu.enqueue_dma source(%dma_start3A_67 : memref<256x2048xf32, #tpu.memory_space<hbm>>) target(%dma_start3A_64 : memref<256x2048xf32, #tpu.memory_space<vmem>>) target_semaphore(%dma_start3A_60 : memref<!tpu.dma_semaphore, #tpu.memory_space<semaphore_mem>>)
      %dma_start3A_68 = arith.constant 0 : i32
      %dma_start3A_69 = tpu.memref_slice %arg13[%get3A_5, %dma_start3A_68] : memref<2x4x!tpu.dma_semaphore, #tpu.memory_space<semaphore_mem>> -> memref<1x1x!tpu.dma_semaphore, #tpu.memory_space<semaphore_mem>>
      %dma_start3A_70 = tpu.memref_squeeze %dma_start3A_69 : memref<1x1x!tpu.dma_semaphore, #tpu.memory_space<semaphore_mem>> -> memref<!tpu.dma_semaphore, #tpu.memory_space<semaphore_mem>>
      %dma_start3A_71 = arith.constant 0 : i32
      %dma_start3A_72 = arith.constant 0 : i32
      %dma_start3A_73 = tpu.memref_slice %arg11[%get3A_5, %dma_start3A_71, %dma_start3A_72] : memref<2x2048x1024xf32, #tpu.memory_space<vmem>> -> memref<1x512x1024xf32, #tpu.memory_space<vmem>>
      %dma_start3A_74 = tpu.memref_squeeze %dma_start3A_73 : memref<1x512x1024xf32, #tpu.memory_space<vmem>> -> memref<512x1024xf32, #tpu.memory_space<vmem>>
      %dma_start3A_75 = arith.constant 0 : i32
      %dma_start3A_76 = tpu.memref_slice %arg6[%get3A_8, %add3A_40, %dma_start3A_75] : memref<8x4096x1024xf32, #tpu.memory_space<hbm>> -> memref<1x512x1024xf32, #tpu.memory_space<hbm>>
      %dma_start3A_77 = tpu.memref_squeeze %dma_start3A_76 : memref<1x512x1024xf32, #tpu.memory_space<hbm>> -> memref<512x1024xf32, #tpu.memory_space<hbm>>
      tpu.enqueue_dma source(%dma_start3A_77 : memref<512x1024xf32, #tpu.memory_space<hbm>>) target(%dma_start3A_74 : memref<512x1024xf32, #tpu.memory_space<vmem>>) target_semaphore(%dma_start3A_70 : memref<!tpu.dma_semaphore, #tpu.memory_space<semaphore_mem>>)
      %dma_start3A_78 = arith.constant 1 : i32
      %dma_start3A_79 = tpu.memref_slice %arg12[%get3A_5, %dma_start3A_78] : memref<2x4x!tpu.dma_semaphore, #tpu.memory_space<semaphore_mem>> -> memref<1x1x!tpu.dma_semaphore, #tpu.memory_space<semaphore_mem>>
      %dma_start3A_80 = tpu.memref_squeeze %dma_start3A_79 : memref<1x1x!tpu.dma_semaphore, #tpu.memory_space<semaphore_mem>> -> memref<!tpu.dma_semaphore, #tpu.memory_space<semaphore_mem>>
      %dma_start3A_81 = arith.constant 256 : i32
      %dma_start3A_82 = arith.constant 0 : i32
      %dma_start3A_83 = tpu.memref_slice %arg10[%get3A_5, %dma_start3A_81, %dma_start3A_82] : memref<2x1024x2048xf32, #tpu.memory_space<vmem>> -> memref<1x256x2048xf32, #tpu.memory_space<vmem>>
      %dma_start3A_84 = tpu.memref_squeeze %dma_start3A_83 : memref<1x256x2048xf32, #tpu.memory_space<vmem>> -> memref<256x2048xf32, #tpu.memory_space<vmem>>
      %dma_start3A_85 = arith.constant 256 : i32
      %dma_start3A_86 = tpu.memref_slice %arg5[%get3A_8, %dma_start3A_85, %mul3A_42] : memref<8x1024x4096xf32, #tpu.memory_space<hbm>> -> memref<1x256x2048xf32, #tpu.memory_space<hbm>>
      %dma_start3A_87 = tpu.memref_squeeze %dma_start3A_86 : memref<1x256x2048xf32, #tpu.memory_space<hbm>> -> memref<256x2048xf32, #tpu.memory_space<hbm>>
      tpu.enqueue_dma source(%dma_start3A_87 : memref<256x2048xf32, #tpu.memory_space<hbm>>) target(%dma_start3A_84 : memref<256x2048xf32, #tpu.memory_space<vmem>>) target_semaphore(%dma_start3A_80 : memref<!tpu.dma_semaphore, #tpu.memory_space<semaphore_mem>>)
      %dma_start3A_88 = arith.constant 1 : i32
      %dma_start3A_89 = tpu.memref_slice %arg13[%get3A_5, %dma_start3A_88] : memref<2x4x!tpu.dma_semaphore, #tpu.memory_space<semaphore_mem>> -> memref<1x1x!tpu.dma_semaphore, #tpu.memory_space<semaphore_mem>>
      %dma_start3A_90 = tpu.memref_squeeze %dma_start3A_89 : memref<1x1x!tpu.dma_semaphore, #tpu.memory_space<semaphore_mem>> -> memref<!tpu.dma_semaphore, #tpu.memory_space<semaphore_mem>>
      %dma_start3A_91 = arith.constant 512 : i32
      %dma_start3A_92 = arith.constant 0 : i32
      %dma_start3A_93 = tpu.memref_slice %arg11[%get3A_5, %dma_start3A_91, %dma_start3A_92] : memref<2x2048x1024xf32, #tpu.memory_space<vmem>> -> memref<1x512x1024xf32, #tpu.memory_space<vmem>>
      %dma_start3A_94 = tpu.memref_squeeze %dma_start3A_93 : memref<1x512x1024xf32, #tpu.memory_space<vmem>> -> memref<512x1024xf32, #tpu.memory_space<vmem>>
      %dma_start3A_95 = arith.constant 0 : i32
      %dma_start3A_96 = tpu.memref_slice %arg6[%get3A_8, %add3A_46, %dma_start3A_95] : memref<8x4096x1024xf32, #tpu.memory_space<hbm>> -> memref<1x512x1024xf32, #tpu.memory_space<hbm>>
      %dma_start3A_97 = tpu.memref_squeeze %dma_start3A_96 : memref<1x512x1024xf32, #tpu.memory_space<hbm>> -> memref<512x1024xf32, #tpu.memory_space<hbm>>
      tpu.enqueue_dma source(%dma_start3A_97 : memref<512x1024xf32, #tpu.memory_space<hbm>>) target(%dma_start3A_94 : memref<512x1024xf32, #tpu.memory_space<vmem>>) target_semaphore(%dma_start3A_90 : memref<!tpu.dma_semaphore, #tpu.memory_space<semaphore_mem>>)
      %dma_start3A_98 = arith.constant 2 : i32
      %dma_start3A_99 = tpu.memref_slice %arg12[%get3A_5, %dma_start3A_98] : memref<2x4x!tpu.dma_semaphore, #tpu.memory_space<semaphore_mem>> -> memref<1x1x!tpu.dma_semaphore, #tpu.memory_space<semaphore_mem>>
      %dma_start3A_100 = tpu.memref_squeeze %dma_start3A_99 : memref<1x1x!tpu.dma_semaphore, #tpu.memory_space<semaphore_mem>> -> memref<!tpu.dma_semaphore, #tpu.memory_space<semaphore_mem>>
      %dma_start3A_101 = arith.constant 512 : i32
      %dma_start3A_102 = arith.constant 0 : i32
      %dma_start3A_103 = tpu.memref_slice %arg10[%get3A_5, %dma_start3A_101, %dma_start3A_102] : memref<2x1024x2048xf32, #tpu.memory_space<vmem>> -> memref<1x256x2048xf32, #tpu.memory_space<vmem>>
      %dma_start3A_104 = tpu.memref_squeeze %dma_start3A_103 : memref<1x256x2048xf32, #tpu.memory_space<vmem>> -> memref<256x2048xf32, #tpu.memory_space<vmem>>
      %dma_start3A_105 = arith.constant 512 : i32
      %dma_start3A_106 = tpu.memref_slice %arg5[%get3A_8, %dma_start3A_105, %mul3A_48] : memref<8x1024x4096xf32, #tpu.memory_space<hbm>> -> memref<1x256x2048xf32, #tpu.memory_space<hbm>>
      %dma_start3A_107 = tpu.memref_squeeze %dma_start3A_106 : memref<1x256x2048xf32, #tpu.memory_space<hbm>> -> memref<256x2048xf32, #tpu.memory_space<hbm>>
      tpu.enqueue_dma source(%dma_start3A_107 : memref<256x2048xf32, #tpu.memory_space<hbm>>) target(%dma_start3A_104 : memref<256x2048xf32, #tpu.memory_space<vmem>>) target_semaphore(%dma_start3A_100 : memref<!tpu.dma_semaphore, #tpu.memory_space<semaphore_mem>>)
      %dma_start3A_108 = arith.constant 2 : i32
      %dma_start3A_109 = tpu.memref_slice %arg13[%get3A_5, %dma_start3A_108] : memref<2x4x!tpu.dma_semaphore, #tpu.memory_space<semaphore_mem>> -> memref<1x1x!tpu.dma_semaphore, #tpu.memory_space<semaphore_mem>>
      %dma_start3A_110 = tpu.memref_squeeze %dma_start3A_109 : memref<1x1x!tpu.dma_semaphore, #tpu.memory_space<semaphore_mem>> -> memref<!tpu.dma_semaphore, #tpu.memory_space<semaphore_mem>>
      %dma_start3A_111 = arith.constant 1024 : i32
      %dma_start3A_112 = arith.constant 0 : i32
      %dma_start3A_113 = tpu.memref_slice %arg11[%get3A_5, %dma_start3A_111, %dma_start3A_112] : memref<2x2048x1024xf32, #tpu.memory_space<vmem>> -> memref<1x512x1024xf32, #tpu.memory_space<vmem>>
      %dma_start3A_114 = tpu.memref_squeeze %dma_start3A_113 : memref<1x512x1024xf32, #tpu.memory_space<vmem>> -> memref<512x1024xf32, #tpu.memory_space<vmem>>
      %dma_start3A_115 = arith.constant 0 : i32
      %dma_start3A_116 = tpu.memref_slice %arg6[%get3A_8, %add3A_52, %dma_start3A_115] : memref<8x4096x1024xf32, #tpu.memory_space<hbm>> -> memref<1x512x1024xf32, #tpu.memory_space<hbm>>
      %dma_start3A_117 = tpu.memref_squeeze %dma_start3A_116 : memref<1x512x1024xf32, #tpu.memory_space<hbm>> -> memref<512x1024xf32, #tpu.memory_space<hbm>>
      tpu.enqueue_dma source(%dma_start3A_117 : memref<512x1024xf32, #tpu.memory_space<hbm>>) target(%dma_start3A_114 : memref<512x1024xf32, #tpu.memory_space<vmem>>) target_semaphore(%dma_start3A_110 : memref<!tpu.dma_semaphore, #tpu.memory_space<semaphore_mem>>)
      %dma_start3A_118 = arith.constant 3 : i32
      %dma_start3A_119 = tpu.memref_slice %arg12[%get3A_5, %dma_start3A_118] : memref<2x4x!tpu.dma_semaphore, #tpu.memory_space<semaphore_mem>> -> memref<1x1x!tpu.dma_semaphore, #tpu.memory_space<semaphore_mem>>
      %dma_start3A_120 = tpu.memref_squeeze %dma_start3A_119 : memref<1x1x!tpu.dma_semaphore, #tpu.memory_space<semaphore_mem>> -> memref<!tpu.dma_semaphore, #tpu.memory_space<semaphore_mem>>
      %dma_start3A_121 = arith.constant 768 : i32
      %dma_start3A_122 = arith.constant 0 : i32
      %dma_start3A_123 = tpu.memref_slice %arg10[%get3A_5, %dma_start3A_121, %dma_start3A_122] : memref<2x1024x2048xf32, #tpu.memory_space<vmem>> -> memref<1x256x2048xf32, #tpu.memory_space<vmem>>
      %dma_start3A_124 = tpu.memref_squeeze %dma_start3A_123 : memref<1x256x2048xf32, #tpu.memory_space<vmem>> -> memref<256x2048xf32, #tpu.memory_space<vmem>>
      %dma_start3A_125 = arith.constant 768 : i32
      %dma_start3A_126 = tpu.memref_slice %arg5[%get3A_8, %dma_start3A_125, %mul3A_54] : memref<8x1024x4096xf32, #tpu.memory_space<hbm>> -> memref<1x256x2048xf32, #tpu.memory_space<hbm>>
      %dma_start3A_127 = tpu.memref_squeeze %dma_start3A_126 : memref<1x256x2048xf32, #tpu.memory_space<hbm>> -> memref<256x2048xf32, #tpu.memory_space<hbm>>
      tpu.enqueue_dma source(%dma_start3A_127 : memref<256x2048xf32, #tpu.memory_space<hbm>>) target(%dma_start3A_124 : memref<256x2048xf32, #tpu.memory_space<vmem>>) target_semaphore(%dma_start3A_120 : memref<!tpu.dma_semaphore, #tpu.memory_space<semaphore_mem>>)
      %dma_start3A_128 = arith.constant 3 : i32
      %dma_start3A_129 = tpu.memref_slice %arg13[%get3A_5, %dma_start3A_128] : memref<2x4x!tpu.dma_semaphore, #tpu.memory_space<semaphore_mem>> -> memref<1x1x!tpu.dma_semaphore, #tpu.memory_space<semaphore_mem>>
      %dma_start3A_130 = tpu.memref_squeeze %dma_start3A_129 : memref<1x1x!tpu.dma_semaphore, #tpu.memory_space<semaphore_mem>> -> memref<!tpu.dma_semaphore, #tpu.memory_space<semaphore_mem>>
      %dma_start3A_131 = arith.constant 1536 : i32
      %dma_start3A_132 = arith.constant 0 : i32
      %dma_start3A_133 = tpu.memref_slice %arg11[%get3A_5, %dma_start3A_131, %dma_start3A_132] : memref<2x2048x1024xf32, #tpu.memory_space<vmem>> -> memref<1x512x1024xf32, #tpu.memory_space<vmem>>
      %dma_start3A_134 = tpu.memref_squeeze %dma_start3A_133 : memref<1x512x1024xf32, #tpu.memory_space<vmem>> -> memref<512x1024xf32, #tpu.memory_space<vmem>>
      %dma_start3A_135 = arith.constant 0 : i32
      %dma_start3A_136 = tpu.memref_slice %arg6[%get3A_8, %add3A_58, %dma_start3A_135] : memref<8x4096x1024xf32, #tpu.memory_space<hbm>> -> memref<1x512x1024xf32, #tpu.memory_space<hbm>>
      %dma_start3A_137 = tpu.memref_squeeze %dma_start3A_136 : memref<1x512x1024xf32, #tpu.memory_space<hbm>> -> memref<512x1024xf32, #tpu.memory_space<hbm>>
      tpu.enqueue_dma source(%dma_start3A_137 : memref<512x1024xf32, #tpu.memory_space<hbm>>) target(%dma_start3A_134 : memref<512x1024xf32, #tpu.memory_space<vmem>>) target_semaphore(%dma_start3A_130 : memref<!tpu.dma_semaphore, #tpu.memory_space<semaphore_mem>>)
    } else {
    }
    %eq3A_23 = arith.constant 1 : i32
    %eq3A_24 = arith.cmpi eq, %get3A_2, %eq3A_23 : i32
    %convert_element_type3A_25 = arith.extui %eq3A_24 : i1 to i32
    %cond3A_26 = arith.constant 0 : i32
    %cond3A_27 = arith.cmpi ne, %convert_element_type3A_25, %cond3A_26 : i32
    scf.if %cond3A_27 {
      %mul3A_35 = arith.constant 2048 : i32
      %mul3A_36 = arith.muli %get3A_11, %mul3A_35 : i32
      %mul3A_37 = arith.constant 2048 : i32
      %mul3A_38 = arith.muli %get3A_11, %mul3A_37 : i32
      %add3A_39 = arith.constant 0 : i32
      %add3A_40 = arith.addi %mul3A_38, %add3A_39 : i32
      %mul3A_41 = arith.constant 2048 : i32
      %mul3A_42 = arith.muli %get3A_11, %mul3A_41 : i32
      %mul3A_43 = arith.constant 2048 : i32
      %mul3A_44 = arith.muli %get3A_11, %mul3A_43 : i32
      %add3A_45 = arith.constant 512 : i32
      %add3A_46 = arith.addi %mul3A_44, %add3A_45 : i32
      %mul3A_47 = arith.constant 2048 : i32
      %mul3A_48 = arith.muli %get3A_11, %mul3A_47 : i32
      %mul3A_49 = arith.constant 2048 : i32
      %mul3A_50 = arith.muli %get3A_11, %mul3A_49 : i32
      %add3A_51 = arith.constant 1024 : i32
      %add3A_52 = arith.addi %mul3A_50, %add3A_51 : i32
      %mul3A_53 = arith.constant 2048 : i32
      %mul3A_54 = arith.muli %get3A_11, %mul3A_53 : i32
      %mul3A_55 = arith.constant 2048 : i32
      %mul3A_56 = arith.muli %get3A_11, %mul3A_55 : i32
      %add3A_57 = arith.constant 1536 : i32
      %add3A_58 = arith.addi %mul3A_56, %add3A_57 : i32
      %dma_wait3A = arith.constant 0 : i32
      %dma_wait3A_59 = tpu.memref_slice %arg12[%get3A_5, %dma_wait3A] : memref<2x4x!tpu.dma_semaphore, #tpu.memory_space<semaphore_mem>> -> memref<1x1x!tpu.dma_semaphore, #tpu.memory_space<semaphore_mem>>
      %dma_wait3A_60 = tpu.memref_squeeze %dma_wait3A_59 : memref<1x1x!tpu.dma_semaphore, #tpu.memory_space<semaphore_mem>> -> memref<!tpu.dma_semaphore, #tpu.memory_space<semaphore_mem>>
      %dma_wait3A_61 = arith.constant 0 : i32
      %dma_wait3A_62 = arith.constant 0 : i32
      %dma_wait3A_63 = tpu.memref_slice %arg10[%get3A_5, %dma_wait3A_61, %dma_wait3A_62] : memref<2x1024x2048xf32, #tpu.memory_space<vmem>> -> memref<1x256x2048xf32, #tpu.memory_space<vmem>>
      %dma_wait3A_64 = tpu.memref_squeeze %dma_wait3A_63 : memref<1x256x2048xf32, #tpu.memory_space<vmem>> -> memref<256x2048xf32, #tpu.memory_space<vmem>>
      %dma_wait3A_65 = arith.constant 0 : i32
      %dma_wait3A_66 = tpu.memref_slice %arg5[%get3A_8, %dma_wait3A_65, %mul3A_36] : memref<8x1024x4096xf32, #tpu.memory_space<hbm>> -> memref<1x256x2048xf32, #tpu.memory_space<hbm>>
      %dma_wait3A_67 = tpu.memref_squeeze %dma_wait3A_66 : memref<1x256x2048xf32, #tpu.memory_space<hbm>> -> memref<256x2048xf32, #tpu.memory_space<hbm>>
      tpu.wait_dma2 semaphore(%dma_wait3A_60 : memref<!tpu.dma_semaphore, #tpu.memory_space<semaphore_mem>>) src(%dma_wait3A_67 : memref<256x2048xf32, #tpu.memory_space<hbm>>) dst(%dma_wait3A_64 : memref<256x2048xf32, #tpu.memory_space<vmem>>)
      %dma_wait3A_68 = arith.constant 0 : i32
      %dma_wait3A_69 = tpu.memref_slice %arg13[%get3A_5, %dma_wait3A_68] : memref<2x4x!tpu.dma_semaphore, #tpu.memory_space<semaphore_mem>> -> memref<1x1x!tpu.dma_semaphore, #tpu.memory_space<semaphore_mem>>
      %dma_wait3A_70 = tpu.memref_squeeze %dma_wait3A_69 : memref<1x1x!tpu.dma_semaphore, #tpu.memory_space<semaphore_mem>> -> memref<!tpu.dma_semaphore, #tpu.memory_space<semaphore_mem>>
      %dma_wait3A_71 = arith.constant 0 : i32
      %dma_wait3A_72 = arith.constant 0 : i32
      %dma_wait3A_73 = tpu.memref_slice %arg11[%get3A_5, %dma_wait3A_71, %dma_wait3A_72] : memref<2x2048x1024xf32, #tpu.memory_space<vmem>> -> memref<1x512x1024xf32, #tpu.memory_space<vmem>>
      %dma_wait3A_74 = tpu.memref_squeeze %dma_wait3A_73 : memref<1x512x1024xf32, #tpu.memory_space<vmem>> -> memref<512x1024xf32, #tpu.memory_space<vmem>>
      %dma_wait3A_75 = arith.constant 0 : i32
      %dma_wait3A_76 = tpu.memref_slice %arg6[%get3A_8, %add3A_40, %dma_wait3A_75] : memref<8x4096x1024xf32, #tpu.memory_space<hbm>> -> memref<1x512x1024xf32, #tpu.memory_space<hbm>>
      %dma_wait3A_77 = tpu.memref_squeeze %dma_wait3A_76 : memref<1x512x1024xf32, #tpu.memory_space<hbm>> -> memref<512x1024xf32, #tpu.memory_space<hbm>>
      tpu.wait_dma2 semaphore(%dma_wait3A_70 : memref<!tpu.dma_semaphore, #tpu.memory_space<semaphore_mem>>) src(%dma_wait3A_77 : memref<512x1024xf32, #tpu.memory_space<hbm>>) dst(%dma_wait3A_74 : memref<512x1024xf32, #tpu.memory_space<vmem>>)
      %dma_wait3A_78 = arith.constant 1 : i32
      %dma_wait3A_79 = tpu.memref_slice %arg12[%get3A_5, %dma_wait3A_78] : memref<2x4x!tpu.dma_semaphore, #tpu.memory_space<semaphore_mem>> -> memref<1x1x!tpu.dma_semaphore, #tpu.memory_space<semaphore_mem>>
      %dma_wait3A_80 = tpu.memref_squeeze %dma_wait3A_79 : memref<1x1x!tpu.dma_semaphore, #tpu.memory_space<semaphore_mem>> -> memref<!tpu.dma_semaphore, #tpu.memory_space<semaphore_mem>>
      %dma_wait3A_81 = arith.constant 256 : i32
      %dma_wait3A_82 = arith.constant 0 : i32
      %dma_wait3A_83 = tpu.memref_slice %arg10[%get3A_5, %dma_wait3A_81, %dma_wait3A_82] : memref<2x1024x2048xf32, #tpu.memory_space<vmem>> -> memref<1x256x2048xf32, #tpu.memory_space<vmem>>
      %dma_wait3A_84 = tpu.memref_squeeze %dma_wait3A_83 : memref<1x256x2048xf32, #tpu.memory_space<vmem>> -> memref<256x2048xf32, #tpu.memory_space<vmem>>
      %dma_wait3A_85 = arith.constant 256 : i32
      %dma_wait3A_86 = tpu.memref_slice %arg5[%get3A_8, %dma_wait3A_85, %mul3A_42] : memref<8x1024x4096xf32, #tpu.memory_space<hbm>> -> memref<1x256x2048xf32, #tpu.memory_space<hbm>>
      %dma_wait3A_87 = tpu.memref_squeeze %dma_wait3A_86 : memref<1x256x2048xf32, #tpu.memory_space<hbm>> -> memref<256x2048xf32, #tpu.memory_space<hbm>>
      tpu.wait_dma2 semaphore(%dma_wait3A_80 : memref<!tpu.dma_semaphore, #tpu.memory_space<semaphore_mem>>) src(%dma_wait3A_87 : memref<256x2048xf32, #tpu.memory_space<hbm>>) dst(%dma_wait3A_84 : memref<256x2048xf32, #tpu.memory_space<vmem>>)
      %dma_wait3A_88 = arith.constant 1 : i32
      %dma_wait3A_89 = tpu.memref_slice %arg13[%get3A_5, %dma_wait3A_88] : memref<2x4x!tpu.dma_semaphore, #tpu.memory_space<semaphore_mem>> -> memref<1x1x!tpu.dma_semaphore, #tpu.memory_space<semaphore_mem>>
      %dma_wait3A_90 = tpu.memref_squeeze %dma_wait3A_89 : memref<1x1x!tpu.dma_semaphore, #tpu.memory_space<semaphore_mem>> -> memref<!tpu.dma_semaphore, #tpu.memory_space<semaphore_mem>>
      %dma_wait3A_91 = arith.constant 512 : i32
      %dma_wait3A_92 = arith.constant 0 : i32
      %dma_wait3A_93 = tpu.memref_slice %arg11[%get3A_5, %dma_wait3A_91, %dma_wait3A_92] : memref<2x2048x1024xf32, #tpu.memory_space<vmem>> -> memref<1x512x1024xf32, #tpu.memory_space<vmem>>
      %dma_wait3A_94 = tpu.memref_squeeze %dma_wait3A_93 : memref<1x512x1024xf32, #tpu.memory_space<vmem>> -> memref<512x1024xf32, #tpu.memory_space<vmem>>
      %dma_wait3A_95 = arith.constant 0 : i32
      %dma_wait3A_96 = tpu.memref_slice %arg6[%get3A_8, %add3A_46, %dma_wait3A_95] : memref<8x4096x1024xf32, #tpu.memory_space<hbm>> -> memref<1x512x1024xf32, #tpu.memory_space<hbm>>
      %dma_wait3A_97 = tpu.memref_squeeze %dma_wait3A_96 : memref<1x512x1024xf32, #tpu.memory_space<hbm>> -> memref<512x1024xf32, #tpu.memory_space<hbm>>
      tpu.wait_dma2 semaphore(%dma_wait3A_90 : memref<!tpu.dma_semaphore, #tpu.memory_space<semaphore_mem>>) src(%dma_wait3A_97 : memref<512x1024xf32, #tpu.memory_space<hbm>>) dst(%dma_wait3A_94 : memref<512x1024xf32, #tpu.memory_space<vmem>>)
      %dma_wait3A_98 = arith.constant 2 : i32
      %dma_wait3A_99 = tpu.memref_slice %arg12[%get3A_5, %dma_wait3A_98] : memref<2x4x!tpu.dma_semaphore, #tpu.memory_space<semaphore_mem>> -> memref<1x1x!tpu.dma_semaphore, #tpu.memory_space<semaphore_mem>>
      %dma_wait3A_100 = tpu.memref_squeeze %dma_wait3A_99 : memref<1x1x!tpu.dma_semaphore, #tpu.memory_space<semaphore_mem>> -> memref<!tpu.dma_semaphore, #tpu.memory_space<semaphore_mem>>
      %dma_wait3A_101 = arith.constant 512 : i32
      %dma_wait3A_102 = arith.constant 0 : i32
      %dma_wait3A_103 = tpu.memref_slice %arg10[%get3A_5, %dma_wait3A_101, %dma_wait3A_102] : memref<2x1024x2048xf32, #tpu.memory_space<vmem>> -> memref<1x256x2048xf32, #tpu.memory_space<vmem>>
      %dma_wait3A_104 = tpu.memref_squeeze %dma_wait3A_103 : memref<1x256x2048xf32, #tpu.memory_space<vmem>> -> memref<256x2048xf32, #tpu.memory_space<vmem>>
      %dma_wait3A_105 = arith.constant 512 : i32
      %dma_wait3A_106 = tpu.memref_slice %arg5[%get3A_8, %dma_wait3A_105, %mul3A_48] : memref<8x1024x4096xf32, #tpu.memory_space<hbm>> -> memref<1x256x2048xf32, #tpu.memory_space<hbm>>
      %dma_wait3A_107 = tpu.memref_squeeze %dma_wait3A_106 : memref<1x256x2048xf32, #tpu.memory_space<hbm>> -> memref<256x2048xf32, #tpu.memory_space<hbm>>
      tpu.wait_dma2 semaphore(%dma_wait3A_100 : memref<!tpu.dma_semaphore, #tpu.memory_space<semaphore_mem>>) src(%dma_wait3A_107 : memref<256x2048xf32, #tpu.memory_space<hbm>>) dst(%dma_wait3A_104 : memref<256x2048xf32, #tpu.memory_space<vmem>>)
      %dma_wait3A_108 = arith.constant 2 : i32
      %dma_wait3A_109 = tpu.memref_slice %arg13[%get3A_5, %dma_wait3A_108] : memref<2x4x!tpu.dma_semaphore, #tpu.memory_space<semaphore_mem>> -> memref<1x1x!tpu.dma_semaphore, #tpu.memory_space<semaphore_mem>>
      %dma_wait3A_110 = tpu.memref_squeeze %dma_wait3A_109 : memref<1x1x!tpu.dma_semaphore, #tpu.memory_space<semaphore_mem>> -> memref<!tpu.dma_semaphore, #tpu.memory_space<semaphore_mem>>
      %dma_wait3A_111 = arith.constant 1024 : i32
      %dma_wait3A_112 = arith.constant 0 : i32
      %dma_wait3A_113 = tpu.memref_slice %arg11[%get3A_5, %dma_wait3A_111, %dma_wait3A_112] : memref<2x2048x1024xf32, #tpu.memory_space<vmem>> -> memref<1x512x1024xf32, #tpu.memory_space<vmem>>
      %dma_wait3A_114 = tpu.memref_squeeze %dma_wait3A_113 : memref<1x512x1024xf32, #tpu.memory_space<vmem>> -> memref<512x1024xf32, #tpu.memory_space<vmem>>
      %dma_wait3A_115 = arith.constant 0 : i32
      %dma_wait3A_116 = tpu.memref_slice %arg6[%get3A_8, %add3A_52, %dma_wait3A_115] : memref<8x4096x1024xf32, #tpu.memory_space<hbm>> -> memref<1x512x1024xf32, #tpu.memory_space<hbm>>
      %dma_wait3A_117 = tpu.memref_squeeze %dma_wait3A_116 : memref<1x512x1024xf32, #tpu.memory_space<hbm>> -> memref<512x1024xf32, #tpu.memory_space<hbm>>
      tpu.wait_dma2 semaphore(%dma_wait3A_110 : memref<!tpu.dma_semaphore, #tpu.memory_space<semaphore_mem>>) src(%dma_wait3A_117 : memref<512x1024xf32, #tpu.memory_space<hbm>>) dst(%dma_wait3A_114 : memref<512x1024xf32, #tpu.memory_space<vmem>>)
      %dma_wait3A_118 = arith.constant 3 : i32
      %dma_wait3A_119 = tpu.memref_slice %arg12[%get3A_5, %dma_wait3A_118] : memref<2x4x!tpu.dma_semaphore, #tpu.memory_space<semaphore_mem>> -> memref<1x1x!tpu.dma_semaphore, #tpu.memory_space<semaphore_mem>>
      %dma_wait3A_120 = tpu.memref_squeeze %dma_wait3A_119 : memref<1x1x!tpu.dma_semaphore, #tpu.memory_space<semaphore_mem>> -> memref<!tpu.dma_semaphore, #tpu.memory_space<semaphore_mem>>
      %dma_wait3A_121 = arith.constant 768 : i32
      %dma_wait3A_122 = arith.constant 0 : i32
      %dma_wait3A_123 = tpu.memref_slice %arg10[%get3A_5, %dma_wait3A_121, %dma_wait3A_122] : memref<2x1024x2048xf32, #tpu.memory_space<vmem>> -> memref<1x256x2048xf32, #tpu.memory_space<vmem>>
      %dma_wait3A_124 = tpu.memref_squeeze %dma_wait3A_123 : memref<1x256x2048xf32, #tpu.memory_space<vmem>> -> memref<256x2048xf32, #tpu.memory_space<vmem>>
      %dma_wait3A_125 = arith.constant 768 : i32
      %dma_wait3A_126 = tpu.memref_slice %arg5[%get3A_8, %dma_wait3A_125, %mul3A_54] : memref<8x1024x4096xf32, #tpu.memory_space<hbm>> -> memref<1x256x2048xf32, #tpu.memory_space<hbm>>
      %dma_wait3A_127 = tpu.memref_squeeze %dma_wait3A_126 : memref<1x256x2048xf32, #tpu.memory_space<hbm>> -> memref<256x2048xf32, #tpu.memory_space<hbm>>
      tpu.wait_dma2 semaphore(%dma_wait3A_120 : memref<!tpu.dma_semaphore, #tpu.memory_space<semaphore_mem>>) src(%dma_wait3A_127 : memref<256x2048xf32, #tpu.memory_space<hbm>>) dst(%dma_wait3A_124 : memref<256x2048xf32, #tpu.memory_space<vmem>>)
      %dma_wait3A_128 = arith.constant 3 : i32
      %dma_wait3A_129 = tpu.memref_slice %arg13[%get3A_5, %dma_wait3A_128] : memref<2x4x!tpu.dma_semaphore, #tpu.memory_space<semaphore_mem>> -> memref<1x1x!tpu.dma_semaphore, #tpu.memory_space<semaphore_mem>>
      %dma_wait3A_130 = tpu.memref_squeeze %dma_wait3A_129 : memref<1x1x!tpu.dma_semaphore, #tpu.memory_space<semaphore_mem>> -> memref<!tpu.dma_semaphore, #tpu.memory_space<semaphore_mem>>
      %dma_wait3A_131 = arith.constant 1536 : i32
      %dma_wait3A_132 = arith.constant 0 : i32
      %dma_wait3A_133 = tpu.memref_slice %arg11[%get3A_5, %dma_wait3A_131, %dma_wait3A_132] : memref<2x2048x1024xf32, #tpu.memory_space<vmem>> -> memref<1x512x1024xf32, #tpu.memory_space<vmem>>
      %dma_wait3A_134 = tpu.memref_squeeze %dma_wait3A_133 : memref<1x512x1024xf32, #tpu.memory_space<vmem>> -> memref<512x1024xf32, #tpu.memory_space<vmem>>
      %dma_wait3A_135 = arith.constant 0 : i32
      %dma_wait3A_136 = tpu.memref_slice %arg6[%get3A_8, %add3A_58, %dma_wait3A_135] : memref<8x4096x1024xf32, #tpu.memory_space<hbm>> -> memref<1x512x1024xf32, #tpu.memory_space<hbm>>
      %dma_wait3A_137 = tpu.memref_squeeze %dma_wait3A_136 : memref<1x512x1024xf32, #tpu.memory_space<hbm>> -> memref<512x1024xf32, #tpu.memory_space<hbm>>
      tpu.wait_dma2 semaphore(%dma_wait3A_130 : memref<!tpu.dma_semaphore, #tpu.memory_space<semaphore_mem>>) src(%dma_wait3A_137 : memref<512x1024xf32, #tpu.memory_space<hbm>>) dst(%dma_wait3A_134 : memref<512x1024xf32, #tpu.memory_space<vmem>>)
      %eq3A_138 = arith.constant 1 : i32
      %eq3A_139 = arith.cmpi eq, %get3A_20, %eq3A_138 : i32
      %convert_element_type3A_140 = arith.extui %eq3A_139 : i1 to i32
      %cond3A_141 = arith.constant 0 : i32
      %cond3A_142 = arith.cmpi ne, %convert_element_type3A_140, %cond3A_141 : i32
      scf.if %cond3A_142 {
        %sub3A = arith.constant 1 : i32
        %sub3A_143 = arith.subi %sub3A, %get3A_5 : i32
        %mul3A_144 = arith.constant 2048 : i32
        %mul3A_145 = arith.muli %get3A_17, %mul3A_144 : i32
        %mul3A_146 = arith.constant 2048 : i32
        %mul3A_147 = arith.muli %get3A_17, %mul3A_146 : i32
        %add3A_148 = arith.constant 0 : i32
        %add3A_149 = arith.addi %mul3A_147, %add3A_148 : i32
        %mul3A_150 = arith.constant 2048 : i32
        %mul3A_151 = arith.muli %get3A_17, %mul3A_150 : i32
        %mul3A_152 = arith.constant 2048 : i32
        %mul3A_153 = arith.muli %get3A_17, %mul3A_152 : i32
        %add3A_154 = arith.constant 512 : i32
        %add3A_155 = arith.addi %mul3A_153, %add3A_154 : i32
        %mul3A_156 = arith.constant 2048 : i32
        %mul3A_157 = arith.muli %get3A_17, %mul3A_156 : i32
        %mul3A_158 = arith.constant 2048 : i32
        %mul3A_159 = arith.muli %get3A_17, %mul3A_158 : i32
        %add3A_160 = arith.constant 1024 : i32
        %add3A_161 = arith.addi %mul3A_159, %add3A_160 : i32
        %mul3A_162 = arith.constant 2048 : i32
        %mul3A_163 = arith.muli %get3A_17, %mul3A_162 : i32
        %mul3A_164 = arith.constant 2048 : i32
        %mul3A_165 = arith.muli %get3A_17, %mul3A_164 : i32
        %add3A_166 = arith.constant 1536 : i32
        %add3A_167 = arith.addi %mul3A_165, %add3A_166 : i32
        %dma_start3A = arith.constant 0 : i32
        %dma_start3A_168 = tpu.memref_slice %arg12[%sub3A_143, %dma_start3A] : memref<2x4x!tpu.dma_semaphore, #tpu.memory_space<semaphore_mem>> -> memref<1x1x!tpu.dma_semaphore, #tpu.memory_space<semaphore_mem>>
        %dma_start3A_169 = tpu.memref_squeeze %dma_start3A_168 : memref<1x1x!tpu.dma_semaphore, #tpu.memory_space<semaphore_mem>> -> memref<!tpu.dma_semaphore, #tpu.memory_space<semaphore_mem>>
        %dma_start3A_170 = arith.constant 0 : i32
        %dma_start3A_171 = arith.constant 0 : i32
        %dma_start3A_172 = tpu.memref_slice %arg10[%sub3A_143, %dma_start3A_170, %dma_start3A_171] : memref<2x1024x2048xf32, #tpu.memory_space<vmem>> -> memref<1x256x2048xf32, #tpu.memory_space<vmem>>
        %dma_start3A_173 = tpu.memref_squeeze %dma_start3A_172 : memref<1x256x2048xf32, #tpu.memory_space<vmem>> -> memref<256x2048xf32, #tpu.memory_space<vmem>>
        %dma_start3A_174 = arith.constant 0 : i32
        %dma_start3A_175 = tpu.memref_slice %arg5[%get3A_14, %dma_start3A_174, %mul3A_145] : memref<8x1024x4096xf32, #tpu.memory_space<hbm>> -> memref<1x256x2048xf32, #tpu.memory_space<hbm>>
        %dma_start3A_176 = tpu.memref_squeeze %dma_start3A_175 : memref<1x256x2048xf32, #tpu.memory_space<hbm>> -> memref<256x2048xf32, #tpu.memory_space<hbm>>
        tpu.enqueue_dma source(%dma_start3A_176 : memref<256x2048xf32, #tpu.memory_space<hbm>>) target(%dma_start3A_173 : memref<256x2048xf32, #tpu.memory_space<vmem>>) target_semaphore(%dma_start3A_169 : memref<!tpu.dma_semaphore, #tpu.memory_space<semaphore_mem>>)
        %dma_start3A_177 = arith.constant 0 : i32
        %dma_start3A_178 = tpu.memref_slice %arg13[%sub3A_143, %dma_start3A_177] : memref<2x4x!tpu.dma_semaphore, #tpu.memory_space<semaphore_mem>> -> memref<1x1x!tpu.dma_semaphore, #tpu.memory_space<semaphore_mem>>
        %dma_start3A_179 = tpu.memref_squeeze %dma_start3A_178 : memref<1x1x!tpu.dma_semaphore, #tpu.memory_space<semaphore_mem>> -> memref<!tpu.dma_semaphore, #tpu.memory_space<semaphore_mem>>
        %dma_start3A_180 = arith.constant 0 : i32
        %dma_start3A_181 = arith.constant 0 : i32
        %dma_start3A_182 = tpu.memref_slice %arg11[%sub3A_143, %dma_start3A_180, %dma_start3A_181] : memref<2x2048x1024xf32, #tpu.memory_space<vmem>> -> memref<1x512x1024xf32, #tpu.memory_space<vmem>>
        %dma_start3A_183 = tpu.memref_squeeze %dma_start3A_182 : memref<1x512x1024xf32, #tpu.memory_space<vmem>> -> memref<512x1024xf32, #tpu.memory_space<vmem>>
        %dma_start3A_184 = arith.constant 0 : i32
        %dma_start3A_185 = tpu.memref_slice %arg6[%get3A_14, %add3A_149, %dma_start3A_184] : memref<8x4096x1024xf32, #tpu.memory_space<hbm>> -> memref<1x512x1024xf32, #tpu.memory_space<hbm>>
        %dma_start3A_186 = tpu.memref_squeeze %dma_start3A_185 : memref<1x512x1024xf32, #tpu.memory_space<hbm>> -> memref<512x1024xf32, #tpu.memory_space<hbm>>
        tpu.enqueue_dma source(%dma_start3A_186 : memref<512x1024xf32, #tpu.memory_space<hbm>>) target(%dma_start3A_183 : memref<512x1024xf32, #tpu.memory_space<vmem>>) target_semaphore(%dma_start3A_179 : memref<!tpu.dma_semaphore, #tpu.memory_space<semaphore_mem>>)
        %dma_start3A_187 = arith.constant 1 : i32
        %dma_start3A_188 = tpu.memref_slice %arg12[%sub3A_143, %dma_start3A_187] : memref<2x4x!tpu.dma_semaphore, #tpu.memory_space<semaphore_mem>> -> memref<1x1x!tpu.dma_semaphore, #tpu.memory_space<semaphore_mem>>
        %dma_start3A_189 = tpu.memref_squeeze %dma_start3A_188 : memref<1x1x!tpu.dma_semaphore, #tpu.memory_space<semaphore_mem>> -> memref<!tpu.dma_semaphore, #tpu.memory_space<semaphore_mem>>
        %dma_start3A_190 = arith.constant 256 : i32
        %dma_start3A_191 = arith.constant 0 : i32
        %dma_start3A_192 = tpu.memref_slice %arg10[%sub3A_143, %dma_start3A_190, %dma_start3A_191] : memref<2x1024x2048xf32, #tpu.memory_space<vmem>> -> memref<1x256x2048xf32, #tpu.memory_space<vmem>>
        %dma_start3A_193 = tpu.memref_squeeze %dma_start3A_192 : memref<1x256x2048xf32, #tpu.memory_space<vmem>> -> memref<256x2048xf32, #tpu.memory_space<vmem>>
        %dma_start3A_194 = arith.constant 256 : i32
        %dma_start3A_195 = tpu.memref_slice %arg5[%get3A_14, %dma_start3A_194, %mul3A_151] : memref<8x1024x4096xf32, #tpu.memory_space<hbm>> -> memref<1x256x2048xf32, #tpu.memory_space<hbm>>
        %dma_start3A_196 = tpu.memref_squeeze %dma_start3A_195 : memref<1x256x2048xf32, #tpu.memory_space<hbm>> -> memref<256x2048xf32, #tpu.memory_space<hbm>>
        tpu.enqueue_dma source(%dma_start3A_196 : memref<256x2048xf32, #tpu.memory_space<hbm>>) target(%dma_start3A_193 : memref<256x2048xf32, #tpu.memory_space<vmem>>) target_semaphore(%dma_start3A_189 : memref<!tpu.dma_semaphore, #tpu.memory_space<semaphore_mem>>)
        %dma_start3A_197 = arith.constant 1 : i32
        %dma_start3A_198 = tpu.memref_slice %arg13[%sub3A_143, %dma_start3A_197] : memref<2x4x!tpu.dma_semaphore, #tpu.memory_space<semaphore_mem>> -> memref<1x1x!tpu.dma_semaphore, #tpu.memory_space<semaphore_mem>>
        %dma_start3A_199 = tpu.memref_squeeze %dma_start3A_198 : memref<1x1x!tpu.dma_semaphore, #tpu.memory_space<semaphore_mem>> -> memref<!tpu.dma_semaphore, #tpu.memory_space<semaphore_mem>>
        %dma_start3A_200 = arith.constant 512 : i32
        %dma_start3A_201 = arith.constant 0 : i32
        %dma_start3A_202 = tpu.memref_slice %arg11[%sub3A_143, %dma_start3A_200, %dma_start3A_201] : memref<2x2048x1024xf32, #tpu.memory_space<vmem>> -> memref<1x512x1024xf32, #tpu.memory_space<vmem>>
        %dma_start3A_203 = tpu.memref_squeeze %dma_start3A_202 : memref<1x512x1024xf32, #tpu.memory_space<vmem>> -> memref<512x1024xf32, #tpu.memory_space<vmem>>
        %dma_start3A_204 = arith.constant 0 : i32
        %dma_start3A_205 = tpu.memref_slice %arg6[%get3A_14, %add3A_155, %dma_start3A_204] : memref<8x4096x1024xf32, #tpu.memory_space<hbm>> -> memref<1x512x1024xf32, #tpu.memory_space<hbm>>
        %dma_start3A_206 = tpu.memref_squeeze %dma_start3A_205 : memref<1x512x1024xf32, #tpu.memory_space<hbm>> -> memref<512x1024xf32, #tpu.memory_space<hbm>>
        tpu.enqueue_dma source(%dma_start3A_206 : memref<512x1024xf32, #tpu.memory_space<hbm>>) target(%dma_start3A_203 : memref<512x1024xf32, #tpu.memory_space<vmem>>) target_semaphore(%dma_start3A_199 : memref<!tpu.dma_semaphore, #tpu.memory_space<semaphore_mem>>)
        %dma_start3A_207 = arith.constant 2 : i32
        %dma_start3A_208 = tpu.memref_slice %arg12[%sub3A_143, %dma_start3A_207] : memref<2x4x!tpu.dma_semaphore, #tpu.memory_space<semaphore_mem>> -> memref<1x1x!tpu.dma_semaphore, #tpu.memory_space<semaphore_mem>>
        %dma_start3A_209 = tpu.memref_squeeze %dma_start3A_208 : memref<1x1x!tpu.dma_semaphore, #tpu.memory_space<semaphore_mem>> -> memref<!tpu.dma_semaphore, #tpu.memory_space<semaphore_mem>>
        %dma_start3A_210 = arith.constant 512 : i32
        %dma_start3A_211 = arith.constant 0 : i32
        %dma_start3A_212 = tpu.memref_slice %arg10[%sub3A_143, %dma_start3A_210, %dma_start3A_211] : memref<2x1024x2048xf32, #tpu.memory_space<vmem>> -> memref<1x256x2048xf32, #tpu.memory_space<vmem>>
        %dma_start3A_213 = tpu.memref_squeeze %dma_start3A_212 : memref<1x256x2048xf32, #tpu.memory_space<vmem>> -> memref<256x2048xf32, #tpu.memory_space<vmem>>
        %dma_start3A_214 = arith.constant 512 : i32
        %dma_start3A_215 = tpu.memref_slice %arg5[%get3A_14, %dma_start3A_214, %mul3A_157] : memref<8x1024x4096xf32, #tpu.memory_space<hbm>> -> memref<1x256x2048xf32, #tpu.memory_space<hbm>>
        %dma_start3A_216 = tpu.memref_squeeze %dma_start3A_215 : memref<1x256x2048xf32, #tpu.memory_space<hbm>> -> memref<256x2048xf32, #tpu.memory_space<hbm>>
        tpu.enqueue_dma source(%dma_start3A_216 : memref<256x2048xf32, #tpu.memory_space<hbm>>) target(%dma_start3A_213 : memref<256x2048xf32, #tpu.memory_space<vmem>>) target_semaphore(%dma_start3A_209 : memref<!tpu.dma_semaphore, #tpu.memory_space<semaphore_mem>>)
        %dma_start3A_217 = arith.constant 2 : i32
        %dma_start3A_218 = tpu.memref_slice %arg13[%sub3A_143, %dma_start3A_217] : memref<2x4x!tpu.dma_semaphore, #tpu.memory_space<semaphore_mem>> -> memref<1x1x!tpu.dma_semaphore, #tpu.memory_space<semaphore_mem>>
        %dma_start3A_219 = tpu.memref_squeeze %dma_start3A_218 : memref<1x1x!tpu.dma_semaphore, #tpu.memory_space<semaphore_mem>> -> memref<!tpu.dma_semaphore, #tpu.memory_space<semaphore_mem>>
        %dma_start3A_220 = arith.constant 1024 : i32
        %dma_start3A_221 = arith.constant 0 : i32
        %dma_start3A_222 = tpu.memref_slice %arg11[%sub3A_143, %dma_start3A_220, %dma_start3A_221] : memref<2x2048x1024xf32, #tpu.memory_space<vmem>> -> memref<1x512x1024xf32, #tpu.memory_space<vmem>>
        %dma_start3A_223 = tpu.memref_squeeze %dma_start3A_222 : memref<1x512x1024xf32, #tpu.memory_space<vmem>> -> memref<512x1024xf32, #tpu.memory_space<vmem>>
        %dma_start3A_224 = arith.constant 0 : i32
        %dma_start3A_225 = tpu.memref_slice %arg6[%get3A_14, %add3A_161, %dma_start3A_224] : memref<8x4096x1024xf32, #tpu.memory_space<hbm>> -> memref<1x512x1024xf32, #tpu.memory_space<hbm>>
        %dma_start3A_226 = tpu.memref_squeeze %dma_start3A_225 : memref<1x512x1024xf32, #tpu.memory_space<hbm>> -> memref<512x1024xf32, #tpu.memory_space<hbm>>
        tpu.enqueue_dma source(%dma_start3A_226 : memref<512x1024xf32, #tpu.memory_space<hbm>>) target(%dma_start3A_223 : memref<512x1024xf32, #tpu.memory_space<vmem>>) target_semaphore(%dma_start3A_219 : memref<!tpu.dma_semaphore, #tpu.memory_space<semaphore_mem>>)
        %dma_start3A_227 = arith.constant 3 : i32
        %dma_start3A_228 = tpu.memref_slice %arg12[%sub3A_143, %dma_start3A_227] : memref<2x4x!tpu.dma_semaphore, #tpu.memory_space<semaphore_mem>> -> memref<1x1x!tpu.dma_semaphore, #tpu.memory_space<semaphore_mem>>
        %dma_start3A_229 = tpu.memref_squeeze %dma_start3A_228 : memref<1x1x!tpu.dma_semaphore, #tpu.memory_space<semaphore_mem>> -> memref<!tpu.dma_semaphore, #tpu.memory_space<semaphore_mem>>
        %dma_start3A_230 = arith.constant 768 : i32
        %dma_start3A_231 = arith.constant 0 : i32
        %dma_start3A_232 = tpu.memref_slice %arg10[%sub3A_143, %dma_start3A_230, %dma_start3A_231] : memref<2x1024x2048xf32, #tpu.memory_space<vmem>> -> memref<1x256x2048xf32, #tpu.memory_space<vmem>>
        %dma_start3A_233 = tpu.memref_squeeze %dma_start3A_232 : memref<1x256x2048xf32, #tpu.memory_space<vmem>> -> memref<256x2048xf32, #tpu.memory_space<vmem>>
        %dma_start3A_234 = arith.constant 768 : i32
        %dma_start3A_235 = tpu.memref_slice %arg5[%get3A_14, %dma_start3A_234, %mul3A_163] : memref<8x1024x4096xf32, #tpu.memory_space<hbm>> -> memref<1x256x2048xf32, #tpu.memory_space<hbm>>
        %dma_start3A_236 = tpu.memref_squeeze %dma_start3A_235 : memref<1x256x2048xf32, #tpu.memory_space<hbm>> -> memref<256x2048xf32, #tpu.memory_space<hbm>>
        tpu.enqueue_dma source(%dma_start3A_236 : memref<256x2048xf32, #tpu.memory_space<hbm>>) target(%dma_start3A_233 : memref<256x2048xf32, #tpu.memory_space<vmem>>) target_semaphore(%dma_start3A_229 : memref<!tpu.dma_semaphore, #tpu.memory_space<semaphore_mem>>)
        %dma_start3A_237 = arith.constant 3 : i32
        %dma_start3A_238 = tpu.memref_slice %arg13[%sub3A_143, %dma_start3A_237] : memref<2x4x!tpu.dma_semaphore, #tpu.memory_space<semaphore_mem>> -> memref<1x1x!tpu.dma_semaphore, #tpu.memory_space<semaphore_mem>>
        %dma_start3A_239 = tpu.memref_squeeze %dma_start3A_238 : memref<1x1x!tpu.dma_semaphore, #tpu.memory_space<semaphore_mem>> -> memref<!tpu.dma_semaphore, #tpu.memory_space<semaphore_mem>>
        %dma_start3A_240 = arith.constant 1536 : i32
        %dma_start3A_241 = arith.constant 0 : i32
        %dma_start3A_242 = tpu.memref_slice %arg11[%sub3A_143, %dma_start3A_240, %dma_start3A_241] : memref<2x2048x1024xf32, #tpu.memory_space<vmem>> -> memref<1x512x1024xf32, #tpu.memory_space<vmem>>
        %dma_start3A_243 = tpu.memref_squeeze %dma_start3A_242 : memref<1x512x1024xf32, #tpu.memory_space<vmem>> -> memref<512x1024xf32, #tpu.memory_space<vmem>>
        %dma_start3A_244 = arith.constant 0 : i32
        %dma_start3A_245 = tpu.memref_slice %arg6[%get3A_14, %add3A_167, %dma_start3A_244] : memref<8x4096x1024xf32, #tpu.memory_space<hbm>> -> memref<1x512x1024xf32, #tpu.memory_space<hbm>>
        %dma_start3A_246 = tpu.memref_squeeze %dma_start3A_245 : memref<1x512x1024xf32, #tpu.memory_space<hbm>> -> memref<512x1024xf32, #tpu.memory_space<hbm>>
        tpu.enqueue_dma source(%dma_start3A_246 : memref<512x1024xf32, #tpu.memory_space<hbm>>) target(%dma_start3A_243 : memref<512x1024xf32, #tpu.memory_space<vmem>>) target_semaphore(%dma_start3A_239 : memref<!tpu.dma_semaphore, #tpu.memory_space<semaphore_mem>>)
      } else {
      }
    } else {
    }
    %get3A_28 = arith.index_cast %arg1 : i32 to index
    %get3A_29 = memref.load %arg3[%get3A_28] : memref<24xi32, #tpu.memory_space<smem>>
    %eq3A_30 = arith.constant 1 : i32
    %eq3A_31 = arith.cmpi eq, %get3A_29, %eq3A_30 : i32
    %convert_element_type3A_32 = arith.extui %eq3A_31 : i1 to i32
    %cond3A_33 = arith.constant 0 : i32
    %cond3A_34 = arith.cmpi ne, %convert_element_type3A_32, %cond3A_33 : i32
    scf.if %cond3A_34 {
      %mul3A_35 = arith.constant 128 : i32
      %mul3A_36 = arith.muli %arg1, %mul3A_35 : i32
      %eq3A_37 = arith.constant 0 : i32
      %eq3A_38 = arith.cmpi eq, %arg0, %eq3A_37 : i32
      %convert_element_type3A_39 = arith.extui %eq3A_38 : i1 to i32
      %cond3A_40 = arith.constant 0 : i32
      %cond3A_41 = arith.cmpi ne, %convert_element_type3A_39, %cond3A_40 : i32
      scf.if %cond3A_41 {
        %get3A_81 = arith.constant 0 : index
        %get3A_82 = arith.constant 0 : index
        %get3A_83 = vector.load %arg4[%get3A_81, %get3A_82] : memref<128x1024xf32, #tpu.memory_space<vmem>>, vector<128x1024xf32>
        %swap3A = arith.index_cast %mul3A_36 : i32 to index
        %swap3A_84 = arith.constant 0 : index
        %swap3A_85 = vector.load %arg9[%swap3A, %swap3A_84] : memref<3072x1024xf32, #tpu.memory_space<vmem>>, vector<128x1024xf32>
        tpu.vector_store %arg9[%swap3A, %swap3A_84], %get3A_83 {strides = array<i32>} : memref<3072x1024xf32, #tpu.memory_space<vmem>>, vector<128x1024xf32>,
      } else {
      }
      %eq3A_42 = arith.constant 0 : i32
      %eq3A_43 = arith.cmpi eq, %arg0, %eq3A_42 : i32
      %get3A_44 = arith.constant 0 : index
      %get3A_45 = arith.constant 0 : index
      %get3A_46 = vector.load %arg4[%get3A_44, %get3A_45] : memref<128x1024xf32, #tpu.memory_space<vmem>>, vector<128x1024xf32>
      %get3A_47 = arith.index_cast %mul3A_36 : i32 to index
      %get3A_48 = arith.constant 0 : index
      %get3A_49 = vector.load %arg9[%get3A_47, %get3A_48] : memref<3072x1024xf32, #tpu.memory_space<vmem>>, vector<128x1024xf32>
      %select_n3A = arith.select %eq3A_43, %get3A_46, %get3A_49 : vector<128x1024xf32>
      %get3A_50 = arith.index_cast %get3A_5 : i32 to index
      %get3A_51 = arith.constant 0 : index
      %get3A_52 = arith.constant 0 : index
      %get3A_53 = vector.load %arg10[%get3A_50, %get3A_51, %get3A_52] : memref<2x1024x2048xf32, #tpu.memory_space<vmem>>, vector<1x1024x2048xf32>
      %get3A_54 = vector.shape_cast %get3A_53 : vector<1x1024x2048xf32> to vector<1024x2048xf32>
      %dot_general3A = arith.constant dense<0.000000e+00> : vector<128x2048xf32>
      %dot_general3A_55 = tpu.matmul %select_n3A, %get3A_54, %dot_general3A {dimension_numbers = #tpu.dot_dimension_numbers<[1], [0], [0], [1], [0, 0, 1, 1], [], []>, transpose_lhs_hint = false} : vector<128x1024xf32>, vector<1024x2048xf32>, vector<128x2048xf32> -> vector<128x2048xf32>
      %max3A = arith.constant 0.000000e+00 : f32
      %max3A_56 = vector.broadcast %max3A : f32 to vector<128x2048xf32>
      %max3A_57 = arith.maximumf %dot_general3A_55, %max3A_56 : vector<128x2048xf32>
      %get3A_58 = arith.index_cast %get3A_5 : i32 to index
      %get3A_59 = arith.constant 0 : index
      %get3A_60 = arith.constant 0 : index
      %get3A_61 = vector.load %arg11[%get3A_58, %get3A_59, %get3A_60] : memref<2x2048x1024xf32, #tpu.memory_space<vmem>>, vector<1x2048x1024xf32>
      %get3A_62 = vector.shape_cast %get3A_61 : vector<1x2048x1024xf32> to vector<2048x1024xf32>
      %dot_general3A_63 = arith.constant dense<0.000000e+00> : vector<128x1024xf32>
      %dot_general3A_64 = tpu.matmul %max3A_57, %get3A_62, %dot_general3A_63 {dimension_numbers = #tpu.dot_dimension_numbers<[1], [0], [0], [1], [0, 0, 1, 1], [], []>, transpose_lhs_hint = false} : vector<128x2048xf32>, vector<2048x1024xf32>, vector<128x1024xf32> -> vector<128x1024xf32>
      %mul3A_65 = arith.constant 128 : i32
      %mul3A_66 = arith.muli %arg1, %mul3A_65 : i32
      %eq3A_67 = arith.constant 0 : i32
      %eq3A_68 = arith.cmpi eq, %arg0, %eq3A_67 : i32
      %convert_element_type3A_69 = arith.extui %eq3A_68 : i1 to i32
      %cond3A_70 = arith.constant 0 : i32
      %cond3A_71 = arith.cmpi ne, %convert_element_type3A_69, %cond3A_70 : i32
      scf.if %cond3A_71 {
        %swap3A = arith.index_cast %mul3A_66 : i32 to index
        %swap3A_81 = arith.constant 0 : index
        %swap3A_82 = vector.load %arg8[%swap3A, %swap3A_81] : memref<3072x1024xf32, #tpu.memory_space<vmem>>, vector<128x1024xf32>
        tpu.vector_store %arg8[%swap3A, %swap3A_81], %dot_general3A_64 {strides = array<i32>} : memref<3072x1024xf32, #tpu.memory_space<vmem>>, vector<128x1024xf32>,
      } else {
      }
      %ne3A = arith.constant 0 : i32
      %ne3A_72 = arith.cmpi ne, %arg0, %ne3A : i32
      %convert_element_type3A_73 = arith.extui %ne3A_72 : i1 to i32
      %cond3A_74 = arith.constant 0 : i32
      %cond3A_75 = arith.cmpi ne, %convert_element_type3A_73, %cond3A_74 : i32
      scf.if %cond3A_75 {
        %get3A_81 = arith.index_cast %mul3A_66 : i32 to index
        %get3A_82 = arith.constant 0 : index
        %get3A_83 = vector.load %arg8[%get3A_81, %get3A_82] : memref<3072x1024xf32, #tpu.memory_space<vmem>>, vector<128x1024xf32>
        %add3A_84 = arith.addf %get3A_83, %dot_general3A_64 : vector<128x1024xf32>
        %swap3A = arith.index_cast %mul3A_66 : i32 to index
        %swap3A_85 = arith.constant 0 : index
        %swap3A_86 = vector.load %arg8[%swap3A, %swap3A_85] : memref<3072x1024xf32, #tpu.memory_space<vmem>>, vector<128x1024xf32>
        tpu.vector_store %arg8[%swap3A, %swap3A_85], %add3A_84 {strides = array<i32>} : memref<3072x1024xf32, #tpu.memory_space<vmem>>, vector<128x1024xf32>,
      } else {
      }
      %eq3A_76 = arith.constant 1 : i32
      %eq3A_77 = arith.cmpi eq, %arg0, %eq3A_76 : i32
      %convert_element_type3A_78 = arith.extui %eq3A_77 : i1 to i32
      %cond3A_79 = arith.constant 0 : i32
      %cond3A_80 = arith.cmpi ne, %convert_element_type3A_78, %cond3A_79 : i32
      scf.if %cond3A_80 {
        %get3A_81 = arith.index_cast %mul3A_66 : i32 to index
        %get3A_82 = arith.constant 0 : index
        %get3A_83 = vector.load %arg8[%get3A_81, %get3A_82] : memref<3072x1024xf32, #tpu.memory_space<vmem>>, vector<128x1024xf32>
        %swap3A = arith.constant 0 : index
        %swap3A_84 = arith.constant 0 : index
        %swap3A_85 = vector.load %arg7[%swap3A, %swap3A_84] : memref<128x1024xf32, #tpu.memory_space<vmem>>, vector<128x1024xf32>
        tpu.vector_store %arg7[%swap3A, %swap3A_84], %get3A_83 {strides = array<i32>} : memref<128x1024xf32, #tpu.memory_space<vmem>>, vector<128x1024xf32>,
      } else {
      }
    } else {
    }
    return
  }
  func.func @transform_0(%arg0: i32, %arg1: i32, %arg2: memref<7x48xi32, #tpu.memory_space<smem>>, %arg3: memref<24xi32, #tpu.memory_space<smem>>) -> (i32, i32) {
    %get3A = arith.index_cast %arg1 : i32 to index
    %get3A_0 = memref.load %arg3[%get3A] : memref<24xi32, #tpu.memory_space<smem>>
    %eq3A = arith.constant 1 : i32
    %eq3A_1 = arith.cmpi eq, %get3A_0, %eq3A : i32
    %eq3A_2 = arith.constant 0 : i32
    %eq3A_3 = arith.cmpi eq, %arg0, %eq3A_2 : i32
    %and3A = arith.andi %eq3A_1, %eq3A_3 : i1
    %jit3A = arith.constant 0 : i32
    %select_n3A = arith.select %and3A, %arg1, %jit3A : i32
    %c0_i32 = arith.constant 0 : i32
    %c0_i32_4 = arith.constant 0 : i32
    return %select_n3A, %c0_i32 : i32, i32
  }
  func.func @transform_3(%arg0: i32, %arg1: i32, %arg2: memref<7x48xi32, #tpu.memory_space<smem>>, %arg3: memref<24xi32, #tpu.memory_space<smem>>) -> (i32, i32) {
    %eq3A = arith.constant 1 : i32
    %eq3A_0 = arith.cmpi eq, %arg0, %eq3A : i32
    %jit3A = arith.constant 0 : i32
    %select_n3A = arith.select %eq3A_0, %arg1, %jit3A : i32
    %c0_i32 = arith.constant 0 : i32
    %c0_i32_1 = arith.constant 0 : i32
    return %select_n3A, %c0_i32 : i32, i32
  }
}

</mosaic_0001>

<sc_bundles>
// kernel: kernel.6.cloned.1.call-start
scs
__scs_entry_jumppad:
0x0: {  	(pc) =	sbr.rel $0x88, $3  }
0x1: {  	(tag) =	ssettag $0x0;
	lr =	simm.s32 $0x1  }
0x2: {  	[smem:$0x3F9C] =	sst lr;
	_ =	strace $0xD0000000  }
0x3: {  	_ = 	snop  }
0x4: {  	_ = 	snop  }
0x5: {  	_ = 	snop  }
0x6: {  	_ = 	snop  }
0x7: {  	_ = 	snop  }
__scs_overlays_trampoline_lowered:
0x8: {  	[smem:$0x3FAB] =	sst s0  }
0x9: {  	[smem:$0x3FAC] =	sst s1  }
0xa: {  	[smem:$0x3FAD] =	sst s2  }
0xb: {  	[smem:$0x3FAE] =	sst s3  }
0xc: {  	[smem:$0x3FAF] =	sst s4  }
0xd: {  	[smem:$0x3FB0] =	sst s5  }
0xe: {  	[smem:$0x3FB1] =	sst s6  }
0xf: {  	[smem:$0x3FB2] =	sst s7  }
0x10: {  	[smem:$0x3FB3] =	sst s8  }
0x11: {  	[smem:$0x3FB4] =	sst s9;
	s0 =	simm.s32 @!p0 $0x0  }
0x12: {  	s1 =	sld [smem:$0x3F9A];
	s0 =	simm.s32 @p0 $0x1  }
0x13: {  	[smem:$0x3FB5] =	sst s0;
	s0 =	simm.s32 @!p1 $0x0  }
0x14: {  	s2 =	sld [smem:$0x3F99];
	s0 =	simm.s32 @p1 $0x1  }
0x15: {  	[smem:$0x3FB6] =	sst s0;
	s0 =	simm.s32 @!p2 $0x0  }
0x16: {  	s3 =	sld [smem:$0x3FDB];
	s0 =	simm.s32 @p2 $0x1  }
0x17: {  	s4 =	simm.s32 $0x1BF5;
	[smem:$0x3FB8] =	sst s0  }
0x18: {  	s0 =	sld [smem:$0x3F9B];
	_ =	swait.ge [sflag:s4], $0x0  }
0x19: {  	s7 =	sld [smem:$0x3F9C]  }
0x1a: {  	s8 =	sadd.s32 $0xFFFFE003, lr  }
0x1b: {  	s9 =	sadd.s32 $0xFFFFFEF7, lr;
	s5 =	simm.s32 $0xFFFFFFFF;
	p2 =	slt.u32 s8, $0xFFFFF086  }
0x1c: {  	p1 =	slt.u32 s9, $0xF7A;
	s5 =	simm.s32 @!p2 $0x0  }
0x1d: {  	s5 =	simm.s32 @p1 $0x1;
	p0 =	seq.s32 s7, s2  }
0x1e: {  	s7 =	smul.u32 @!p0 $0xF7A, s2;
	p2 =	seq.s32 @!p0 s5, $0x0  }
0x1f: {  	s9 =	smul.u32 $0xF7A, s1;
	s8 =	simm.s32 @!p0 $0x1BF5;
	p2 =	por !p2, p0  }
0x20: {  	[sflag:s8] =	ssyncset.s32 @!p0 $0xFFFFF086;
	s6 =	sadd.s32 @!p0 s3, s7;
	s7 =	simm.s32 @!p0 $0x108  }
0x21: {  	s3 =	sadd.s32 s3, s9;
	s6 =	sadd.s32 @!p0 $0x88, s6;
	s7 =	simm.s32 @p2 $0x1082  }
0x22: {  	[simem:s7], [sflag:s8] =	dma.local @!p0 [hbm:s6], $0xF7A  }
0x23: {  	s9 =	sor.u32 $0xD0000000, s2;
	s6 =	simm.s32 $0x108;
	_ =	swait.ge @!p0 [sflag:s8], $0x0  }
0x24: {  	s3 =	sadd.s32 $0x88, s3;
	s6 =	simm.s32 @!p1 $0x1082;
	[sflag:s4] =	ssyncset.s32 $0xFFFFF086  }
0x25: {  	[simem:s6], [sflag:s4] =	dma.local [hbm:s3], $0xF7A  }
0x26: {  	[smem:$0x3F9C] =	sst s1;
	(tag) =	ssettag s2;
	_ =	strace s9  }
0x27: {  	s1 =	sld [smem:$0x3FAC]  }
0x28: {  	s2 =	sld [smem:$0x3FAD]  }
0x29: {  	s4 =	sld [smem:$0x3FAF]  }
0x2a: {  	p0 =	seq.s32 s5, $0x0;
	s5 =	sld [smem:$0x3FB0]  }
0x2b: {  	s6 =	sld [smem:$0x3FB1]  }
0x2c: {  	s7 =	sld [smem:$0x3FB2]  }
0x2d: {  	s3 =	simm.s32 $0x108;
	s8 =	sld [smem:$0x3FB3]  }
0x2e: {  	s3 =	simm.s32 @!p0 $0x1082;
	s9 =	sld [smem:$0x3FB4]  }
0x2f: {  	lr =	sadd.s32 s0, s3;
	s0 =	sld [smem:$0x3FAB]  }
0x30: {  	s3 =	sld [smem:$0x3FAE]  }
0x31: {  	[smem:$0x3FB7] =	sst s10  }
0x32: {  	s10 =	sld [smem:$0x3FB5];
	_ =	sdelay $0x3  }
0x33: {  	p0 =	seq.s32 s10, $0x1;
	s10 =	sld [smem:$0x3FB7];
	_ =	sdelay $0x3  }
0x34: {  	[smem:$0x3FB7] =	sst s10  }
0x35: {  	s10 =	sld [smem:$0x3FB6];
	_ =	sdelay $0x3  }
0x36: {  	p1 =	seq.s32 s10, $0x1;
	s10 =	sld [smem:$0x3FB7];
	_ =	sdelay $0x3  }
0x37: {  	[smem:$0x3FB7] =	sst s10  }
0x38: {  	s10 =	sld [smem:$0x3FB8]  }
0x39: {  	_ = 	snop;
	(pc) =	sbr.ind lr, $3  }
0x3a: {  	_ = 	snop  }
0x3b: {  	_ = 	snop  }
0x3c: {  	p2 =	seq.s32 s10, $0x1;
	s10 =	sld [smem:$0x3FB7]  }
0x3d: {  	_ =	shalt  }
0x3e: {  	_ =	shalt  }
0x3f: {  	_ =	shalt  }
0x40: {  	_ =	shalt  }
0x41: {  	_ =	shalt  }
0x42: {  	_ =	shalt  }
0x43: {  	_ =	shalt  }
0x44: {  	_ =	shalt  }
0x45: {  	_ =	shalt  }
0x46: {  	_ =	shalt  }
0x47: {  	_ =	shalt  }
0x48: {  	_ =	shalt  }
0x49: {  	_ =	shalt  }
0x4a: {  	_ =	shalt  }
0x4b: {  	_ =	shalt  }
0x4c: {  	_ =	shalt  }
0x4d: {  	_ =	shalt  }
0x4e: {  	_ =	shalt  }
0x4f: {  	_ =	shalt  }
0x50: {  	_ =	shalt  }
0x51: {  	_ =	shalt  }
0x52: {  	_ =	shalt  }
0x53: {  	_ =	shalt  }
0x54: {  	_ =	shalt  }
0x55: {  	_ =	shalt  }
0x56: {  	_ =	shalt  }
0x57: {  	_ =	shalt  }
0x58: {  	_ =	shalt  }
0x59: {  	_ =	shalt  }
0x5a: {  	_ =	shalt  }
0x5b: {  	_ =	shalt  }
0x5c: {  	_ =	shalt  }
0x5d: {  	_ =	shalt  }
0x5e: {  	_ =	shalt  }
0x5f: {  	_ =	shalt  }
0x60: {  	_ =	shalt  }
0x61: {  	_ =	shalt  }
0x62: {  	_ =	shalt  }
0x63: {  	_ =	shalt  }
0x64: {  	_ =	shalt  }
0x65: {  	_ =	shalt  }
0x66: {  	_ =	shalt  }
0x67: {  	_ =	shalt  }
0x68: {  	_ =	shalt  }
0x69: {  	_ =	shalt  }
0x6a: {  	_ =	shalt  }
0x6b: {  	_ =	shalt  }
0x6c: {  	_ =	shalt  }
0x6d: {  	_ =	shalt  }
0x6e: {  	_ =	shalt  }
0x6f: {  	_ =	shalt  }
0x70: {  	_ =	shalt  }
0x71: {  	_ =	shalt  }
0x72: {  	_ =	shalt  }
0x73: {  	_ =	shalt  }
0x74: {  	_ =	shalt  }
0x75: {  	_ =	shalt  }
0x76: {  	_ =	shalt  }
0x77: {  	_ =	shalt  }
0x78: {  	_ =	shalt  }
0x79: {  	_ =	shalt  }
0x7a: {  	_ =	shalt  }
0x7b: {  	_ =	shalt  }
0x7c: {  	_ =	shalt  }
0x7d: {  	_ =	shalt  }
0x7e: {  	_ =	shalt  }
0x7f: {  	_ =	shalt  }
0x80: {  	_ =	shalt  }
0x81: {  	_ =	shalt  }
0x82: {  	_ =	shalt  }
0x83: {  	_ =	shalt  }
0x84: {  	_ =	shalt  }
0x85: {  	_ =	shalt  }
0x86: {  	_ =	shalt  }
0x87: {  	_ =	shalt  }
.Lfunc_end0:
.L_simem_size_0:
called_computation_lowered:
.L_overlay_start_0:
0x88: {  	s2 =	sld [smem:$0x3FD9]  }
0x89: {  	s3 =	sld [smem:$0x3FFE];
	_ =	sdelay $0x1  }
0x8a: {  	s1 =	srdreg.scid  }
0x8b: {  	s0 =	sand.u32 $0x1, s1  }
0x8c: {  	s17 =	sshll.u32 s0, $0xA;
	s2 =	sadd.s32 s3, s2  }
0x8d: {  	s2 =	sadd.s32 s2, s17  }
0x8e: {  	[smem:$0x3FC3] =	sst s2  }
0x8f: {  	_ = 	snop  }
0x90: {  	s2 =	sld [smem:$0x3FD0];
	(tm) =	ssettm $0x1  }
0x91: {  	s18 =	sld [smem:$0x3FFB];
	_ =	sdelay $0x3  }
0x92: {  	_ =	strace s18  }
0x93: {  	s3 =	sld [smem:$0x3FFC];
	_ =	sdelay $0x3  }
0x94: {  	_ =	strace s3  }
0x95: {  	s3 =	sld [smem:$0x3FFD];
	_ =	sdelay $0x3  }
0x96: {  	_ =	strace s3  }
0x97: {  	_ =	strace $0x8FFFFFFF  }
0x98: {  	s19 =	sld [smem:$0x3FDB];
	_ =	sdelay $0x1  }
0x99: {  	s4 =	simm.s32 $_scs_section_size  }
0x9a: {  	s5 =	simm.s32 $_size__tile_overlayer_lowered;
	s6 =	simm.s32 $_tile_overlayer_lowered  }
0x9b: {  	s22 =	simm.s32 $0x1BFF;
	s21 =	sshll.u32 s6, $0x1;
	s3 =	sadd.s32 s4, s19  }
0x9c: {  	s7 =	simm.s32 $0x0;
	s20 =	sshll.u32 s5, $0x1;
	s5 =	sadd.s32 s21, s3  }
0x9d: {  	[timem:s7], [sflag:s22] =	dma.local [hbm:s5], s20  }
0x9e: {  	_ =	swait.ge [sflag:s22], s20  }
0x9f: {  	s4 =	ssub.s32 $0x0, s20;
	[sflag:s22] =	ssyncset.done $0x0  }
0xa0: {  	[sflag:s22] =	ssyncadd.s32 s4;
	_ =	sdelay $0x1  }
0xa1: {  	s23 =	simm.s32 $0x1B8B  }
0xa2: {  	_ =	swait.ge [sflag:s23], $0x1  }
0xa3: {  	[sflag:s23] =	ssyncset.done $0x0  }
0xa4: {  	s25 =	simm.s32 $0x1B8E;
	s24 =	sld [smem:$0x3FFE];
	[sflag:s23] =	ssyncadd.s32 $0xFFFFFFFF  }
0xa5: {  	s26 =	simm.s32 $execute0_lowered;
	[smem:$0x3FD2] =	sst s25  }
0xa6: {  	s5 =	sshll.u32 s26, $0x1;
	_ =	strace $0x80000046;
	[dreg:$0x1] =	wrdreg $0xFFFFFFFF  }
0xa7: {  	s28 =	simm.s32 $_size_execute0_lowered;
	s3 =	sadd.s32 s3, s5;
	[dreg:$0x0] =	wrdreg $0x0  }
0xa8: {  	s5 =	sshll.u32 s28, $0x1;
	[dreg:$0x2] =	wrdreg s3  }
0xa9: {  	[dreg:$0x3] =	wrdreg s5  }
0xaa: {  	[dreg:$0x4] =	wrdreg $0xC0  }
0xab: {  	_ =	task [dreg:s7], $0x5FFFF  }
0xac: {  	[dreg:$0x1] =	wrdreg $0xFFFFFFFF  }
0xad: {  	[dreg:$0x0] =	wrdreg $0x60  }
0xae: {  	[dreg:$0x2] =	wrdreg s2  }
0xaf: {  	[dreg:$0x3] =	wrdreg s24  }
0xb0: {  	[dreg:$0x4] =	wrdreg $0x9  }
0xb1: {  	_ =	task.clear_ibuf [dreg:s7], $0x5FFFF;
	_ =	strace $0x90000046  }
0xb2: {  	s29 =	simm.s32 $0x9;
	_ =	strace $0x80000048  }
0xb3: {  	_ =	swait.ge [sflag:s29], $0x1  }
0xb4: {  	[sflag:s29] =	ssyncadd.s32 $0xFFFFFFFF  }
0xb5: {  	_ =	strace $0x90000048  }
0xb6: {  	_ =	sfence  }
0xb7: {  	s30 =	sld [smem:$0x0];
	_ =	sdelay $0x2  }
0xb8: {  	s31 =	sshll.u32 s1, $0xD;
	s1 =	sshrl.u32 s1, $0x2  }
0xb9: {  	s3 =	sand.u32 $0x4000, s31;
	s1 =	sadd.s32 s1, s30  }
0xba: {  	s0 =	sor.u32 s3, s0;
	s1 =	sshll.u32 s1, $0x11  }
0xbb: {  	s0 =	sor.u32 s1, s0  }
0xbc: {  	s0 =	sadd.s32 $0x8F2B, s0  }
0xbd: {  	[sflag:s0] =	ssyncadd.remote.s32 $0x1  }
0xbe: {  	_ =	sfence.sel $0xFFFF  }
0xbf: {  	[dreg:$0x0] =	wrdreg $0xFFFFFFFF;
	(pc) =	sbr.abs _section_cstart, $3  }
0xc0: {  	[dreg:$0x1] =	wrdreg $0xFFFFFFFF  }
0xc1: {  	_ =	task.clear_ibuf [dreg:s7], $0x2FFFF;
	_ =	strace $0x9FFFFFFF  }
0xc2: {  	(tm) =	ssettm $0x7FFFFFFF  }
0xc3: {  	_ =	shalt  }
tec
execute0_lowered:
.L_overlay_start_1:
0x0: {  	(tag) =	ssettag $0x1  }
0x1: {  	s1 =	srdreg.scid  }
0x2: {  	s0 =	stileid.u32;
	s3 =	rddreg [dreg:$0x0]  }
0x3: {  	s6 =	rddreg [dreg:$0x1];
	s18 =	simm.s32 $0x880;
	s19 =	simm.s32 $0x1080  }
0x4: {  	s20 =	simm.s32 $0x1880;
	s22 =	simm.s32 $0x2080;
	s23 =	simm.s32 $0x2880  }
0x5: {  	s7 =	simm.s32 $0x3080;
	s24 =	simm.s32 $0x3880;
	s8 =	simm.s32 $0x4080  }
0x6: {  	s25 =	simm.s32 $0x4880;
	s26 =	simm.s32 $0x5080;
	s1 =	sand.u32 $0x1, s1  }
0x7: {  	s9 =	simm.s32 $0x80;
	s2 =	sshll.u32 s0, $0x7;
	s4 =	sshll.u32 s1, $0x6  }
0x8: {  	s11 =	simm.s32 $0x6080;
	s4 =	sor.u32 s4, s2;
	s2 =	simm.s32 $0x0  }
0x9: {  	s12 =	simm.s32 $0x6880;
	s13 =	simm.s32 $0x7080;
	[smem:$0x7FF] =	sst s2  }
0xa: {  	s14 =	simm.s32 $0x7880;
	_ =	strace $0x80000047;
	[dreg:$0x5] =	wrdreg s18  }
0xb: {  	s15 =	simm.s32 $0x8080;
	s16 =	simm.s32 $0x8880;
	[dreg:$0x6] =	wrdreg s19  }
0xc: {  	s17 =	simm.s32 $0x9080;
	s28 =	simm.s32 $0xE080;
	[dreg:$0x7] =	wrdreg s20  }
0xd: {  	s29 =	simm.s32 $0xE880;
	s30 =	simm.s32 $0xF080;
	[dreg:$0x8] =	wrdreg s22  }
0xe: {  	s31 =	simm.s32 $0xF880;
	s1 =	ssub.s32 $0x2, s1;
	[dreg:$0x9] =	wrdreg s23  }
0xf: {  	s21 =	sshrl.u32 s1, $0x1;
	s5 =	sshrl.u32 s4, $0x3;
	[dreg:$0xa] =	wrdreg s7  }
0x10: {  	s4 =	sshll.u32 s4, $0x7;
	s1 =	ssub.s32 s1, s21;
	[dreg:$0xb] =	wrdreg s24  }
0x11: {  	s21 =	simm.s32 $0xB080;
	s5 =	sadd.s32 s5, s6;
	[dreg:$0xc] =	wrdreg s8  }
0x12: {  	s3 =	sadd.s32 s3, s4;
	s4 =	sadd.s32 $0xD00, s6;
	[dreg:$0xd] =	wrdreg s25  }
0x13: {  	s7 =	smax.u32 s1, $0x1;
	s8 =	simm.s32 $0x2;
	[dreg:$0xe] =	wrdreg s26  }
0x14: {  	s18 =	simm.s32 $0x9880;
	s19 =	simm.s32 $0xA080;
	s20 =	simm.s32 $0xA880  }
0x15: {  	s22 =	simm.s32 $0xB880;
	s23 =	simm.s32 $0xC080;
	s24 =	simm.s32 $0xC880  }
0x16: {  	v2 =	vlaneseq.u32;
	s25 =	simm.s32 $0xD080;
	s26 =	simm.s32 $0xD880;
	s1 =	simm.s32 $0x1  }
0x17: {  	vm0 =	vmmov $0xffff;
	v1 =	vshrl.u32 v2, $0x3;
	s5 =	sadd.s32 $0xA00, s5;
	[dreg:$0x4] =	wrdreg s3;
	s3 =	sadd.s32 $0xC00, s6  }
0x18: {  	v0 =	vand.u32 $0x7, v2;
	v2 =	vor.u32 $0x8, v2;
	v1 =	vmul.u32 $0x8, v1;
	[dreg:$0x3] =	wrdreg s5;
	s5 =	sadd.s32 $0xE00, s6;
	s6 =	sadd.s32 $0xF00, s6  }
.LBB2_1:
0x19: {  	s0 =	rddreg [dreg:$0x3]  }
0x1a: {  	[tilespmem:s2], [sflag:$0x2] =	stream.linear.gather [hbm4b:s0+s2], $0x40, $0x38;
	[tilespmem:$0x10080] =	vst v63  }
0x1b: {  	_ =	swait.ge [sflag:s8], $0x40  }
0x1c: {  	[sflag:s8] =	ssyncset.done $0x0  }
0x1d: {  	s10 =	rddreg [dreg:$0x4];
	[sflag:s8] =	ssyncadd.s32 $0xFFFFFFC0  }
0x1e: {  	[tilespmem:s9], [sflag:$0x2] =	stream.linear.gather [hbm4b:s10+s2], $0x10000, $0x38;
	[tilespmem:$0x10080] =	vst v63  }
0x1f: {  	_ =	swait.ge [sflag:s8], $0x10000  }
0x20: {  	[sflag:s8] =	ssyncset.done $0x0  }
0x21: {  	[sflag:s8] =	ssyncadd.s32 $0xFFFF0000  }
0x22: {  	v3 =	vld [tilespmem:$0x0];
	_ =	sdelay $0x4  }
0x23: {  	v4 =	vshll.u32 v3, $0x3  }
0x24: {  	v3 =	vand.u32 $0x7, v3;
	v4 =	vand.u32 $0xFFFFFFC0, v4  }
0x25: {  	v3 =	vor.u32 v3, v4  }
0x26: {  	v4 =	vperm.xlane v3, v0;
	_ =	sdelay $0x1  }
0x27: {  	v4 =	vadd.s32 v1, v4;
	_ =	sdelay $0x4  }
0x28: {  	[hbm4b:s3+s2] =	stream.indirect_vreg.scatter [tilespmem:s9], [sflag:$0x1], $0x80, v4, vm0, $0xb8;
	[tilespmem:$0x10080] =	vst v63  }
0x29: {  	s0 =	rddreg [dreg:$0x5];
	v3 =	vperm.xlane v3, v2  }
0x2a: {  	[hbm4b:s4+s2] =	stream.indirect_vreg.scatter [tilespmem:s0], [sflag:$0x1], $0x80, v4, vm0, $0xb8;
	[tilespmem:$0x10080] =	vst v63  }
0x2b: {  	s10 =	rddreg [dreg:$0x6];
	v3 =	vadd.s32 v1, v3  }
0x2c: {  	[hbm4b:s5+s2] =	stream.indirect_vreg.scatter [tilespmem:s10], [sflag:$0x1], $0x80, v4, vm0, $0xb8;
	[tilespmem:$0x10080] =	vst v63  }
0x2d: {  	s0 =	rddreg [dreg:$0x7]  }
0x2e: {  	[hbm4b:s6+s2] =	stream.indirect_vreg.scatter [tilespmem:s0], [sflag:$0x1], $0x80, v4, vm0, $0xb8;
	[tilespmem:$0x10080] =	vst v63  }
0x2f: {  	s10 =	rddreg [dreg:$0x8]  }
0x30: {  	[hbm4b:s3+s2] =	stream.indirect_vreg.scatter [tilespmem:s10], [sflag:$0x1], $0x80, v3, vm0, $0xb8;
	[tilespmem:$0x10080] =	vst v63  }
0x31: {  	s0 =	rddreg [dreg:$0x9]  }
0x32: {  	[hbm4b:s4+s2] =	stream.indirect_vreg.scatter [tilespmem:s0], [sflag:$0x1], $0x80, v3, vm0, $0xb8;
	[tilespmem:$0x10080] =	vst v63  }
0x33: {  	s10 =	rddreg [dreg:$0xa]  }
0x34: {  	[hbm4b:s5+s2] =	stream.indirect_vreg.scatter [tilespmem:s10], [sflag:$0x1], $0x80, v3, vm0, $0xb8;
	[tilespmem:$0x10080] =	vst v63  }
0x35: {  	s0 =	rddreg [dreg:$0xb]  }
0x36: {  	[hbm4b:s6+s2] =	stream.indirect_vreg.scatter [tilespmem:s0], [sflag:$0x1], $0x80, v3, vm0, $0xb8;
	[tilespmem:$0x10080] =	vst v63  }
0x37: {  	v3 =	vld [tilespmem:$0x10];
	_ =	sdelay $0x4  }
0x38: {  	v61 =	vshll.u32 v3, $0x3  }
0x39: {  	v3 =	vand.u32 $0x7, v3;
	v4 =	vand.u32 $0xFFFFFFC0, v61  }
0x3a: {  	v3 =	vor.u32 v3, v4  }
0x3b: {  	v4 =	vperm.xlane v3, v0;
	_ =	sdelay $0x1  }
0x3c: {  	v4 =	vadd.s32 v1, v4;
	_ =	sdelay $0x3  }
0x3d: {  	s0 =	rddreg [dreg:$0xc]  }
0x3e: {  	[hbm4b:s3+s2] =	stream.indirect_vreg.scatter [tilespmem:s0], [sflag:$0x1], $0x80, v4, vm0, $0xb8;
	[tilespmem:$0x10080] =	vst v63  }
0x3f: {  	s10 =	rddreg [dreg:$0xd];
	v3 =	vperm.xlane v3, v2  }
0x40: {  	[hbm4b:s4+s2] =	stream.indirect_vreg.scatter [tilespmem:s10], [sflag:$0x1], $0x80, v4, vm0, $0xb8;
	[tilespmem:$0x10080] =	vst v63  }
0x41: {  	v3 =	vadd.s32 v1, v3;
	s0 =	rddreg [dreg:$0xe]  }
0x42: {  	[hbm4b:s5+s2] =	stream.indirect_vreg.scatter [tilespmem:s0], [sflag:$0x1], $0x80, v4, vm0, $0xb8;
	[tilespmem:$0x10080] =	vst v63  }
0x43: {  	s10 =	simm.s32 $0x5880  }
0x44: {  	[hbm4b:s6+s2] =	stream.indirect_vreg.scatter [tilespmem:s10], [sflag:$0x1], $0x80, v4, vm0, $0xb8;
	[tilespmem:$0x10080] =	vst v63  }
0x45: {  	_ = 	snop  }
0x46: {  	[hbm4b:s3+s2] =	stream.indirect_vreg.scatter [tilespmem:s11], [sflag:$0x1], $0x80, v3, vm0, $0xb8;
	[tilespmem:$0x10080] =	vst v63  }
0x47: {  	_ = 	snop  }
0x48: {  	[hbm4b:s4+s2] =	stream.indirect_vreg.scatter [tilespmem:s12], [sflag:$0x1], $0x80, v3, vm0, $0xb8;
	[tilespmem:$0x10080] =	vst v63  }
0x49: {  	_ = 	snop  }
0x4a: {  	[hbm4b:s5+s2] =	stream.indirect_vreg.scatter [tilespmem:s13], [sflag:$0x1], $0x80, v3, vm0, $0xb8;
	[tilespmem:$0x10080] =	vst v63  }
0x4b: {  	_ = 	snop  }
0x4c: {  	[hbm4b:s6+s2] =	stream.indirect_vreg.scatter [tilespmem:s14], [sflag:$0x1], $0x80, v3, vm0, $0xb8;
	[tilespmem:$0x10080] =	vst v63  }
0x4d: {  	v3 =	vld [tilespmem:$0x20];
	_ =	sdelay $0x4  }
0x4e: {  	v62 =	vshll.u32 v3, $0x3  }
0x4f: {  	v3 =	vand.u32 $0x7, v3;
	v4 =	vand.u32 $0xFFFFFFC0, v62  }
0x50: {  	v3 =	vor.u32 v3, v4  }
0x51: {  	v4 =	vperm.xlane v3, v0;
	_ =	sdelay $0x1  }
0x52: {  	v4 =	vadd.s32 v1, v4;
	_ =	sdelay $0x4  }
0x53: {  	[hbm4b:s3+s2] =	stream.indirect_vreg.scatter [tilespmem:s15], [sflag:$0x1], $0x80, v4, vm0, $0xb8;
	[tilespmem:$0x10080] =	vst v63  }
0x54: {  	v3 =	vperm.xlane v3, v2  }
0x55: {  	[hbm4b:s4+s2] =	stream.indirect_vreg.scatter [tilespmem:s16], [sflag:$0x1], $0x80, v4, vm0, $0xb8;
	[tilespmem:$0x10080] =	vst v63  }
0x56: {  	v3 =	vadd.s32 v1, v3  }
0x57: {  	[hbm4b:s5+s2] =	stream.indirect_vreg.scatter [tilespmem:s17], [sflag:$0x1], $0x80, v4, vm0, $0xb8;
	[tilespmem:$0x10080] =	vst v63  }
0x58: {  	_ = 	snop  }
0x59: {  	[hbm4b:s6+s2] =	stream.indirect_vreg.scatter [tilespmem:s18], [sflag:$0x1], $0x80, v4, vm0, $0xb8;
	[tilespmem:$0x10080] =	vst v63  }
0x5a: {  	_ = 	snop  }
0x5b: {  	[hbm4b:s3+s2] =	stream.indirect_vreg.scatter [tilespmem:s19], [sflag:$0x1], $0x80, v3, vm0, $0xb8;
	[tilespmem:$0x10080] =	vst v63  }
0x5c: {  	_ = 	snop  }
0x5d: {  	[hbm4b:s4+s2] =	stream.indirect_vreg.scatter [tilespmem:s20], [sflag:$0x1], $0x80, v3, vm0, $0xb8;
	[tilespmem:$0x10080] =	vst v63  }
0x5e: {  	_ = 	snop  }
0x5f: {  	[hbm4b:s5+s2] =	stream.indirect_vreg.scatter [tilespmem:s21], [sflag:$0x1], $0x80, v3, vm0, $0xb8;
	[tilespmem:$0x10080] =	vst v63  }
0x60: {  	_ = 	snop  }
0x61: {  	[hbm4b:s6+s2] =	stream.indirect_vreg.scatter [tilespmem:s22], [sflag:$0x1], $0x80, v3, vm0, $0xb8;
	[tilespmem:$0x10080] =	vst v63  }
0x62: {  	v3 =	vld [tilespmem:$0x30];
	_ =	sdelay $0x4  }
0x63: {  	v63 =	vshll.u32 v3, $0x3  }
0x64: {  	v3 =	vand.u32 $0x7, v3;
	v4 =	vand.u32 $0xFFFFFFC0, v63  }
0x65: {  	v3 =	vor.u32 v3, v4  }
0x66: {  	v4 =	vperm.xlane v3, v0;
	_ =	sdelay $0x1  }
0x67: {  	v4 =	vadd.s32 v1, v4;
	_ =	sdelay $0x4  }
0x68: {  	[hbm4b:s3+s2] =	stream.indirect_vreg.scatter [tilespmem:s23], [sflag:$0x1], $0x80, v4, vm0, $0xb8;
	[tilespmem:$0x10080] =	vst v63  }
0x69: {  	v3 =	vperm.xlane v3, v2  }
0x6a: {  	[hbm4b:s4+s2] =	stream.indirect_vreg.scatter [tilespmem:s24], [sflag:$0x1], $0x80, v4, vm0, $0xb8;
	[tilespmem:$0x10080] =	vst v63  }
0x6b: {  	v3 =	vadd.s32 v1, v3  }
0x6c: {  	[hbm4b:s5+s2] =	stream.indirect_vreg.scatter [tilespmem:s25], [sflag:$0x1], $0x80, v4, vm0, $0xb8;
	[tilespmem:$0x10080] =	vst v63  }
0x6d: {  	_ = 	snop  }
0x6e: {  	[hbm4b:s6+s2] =	stream.indirect_vreg.scatter [tilespmem:s26], [sflag:$0x1], $0x80, v4, vm0, $0xb8;
	[tilespmem:$0x10080] =	vst v63  }
0x6f: {  	_ = 	snop  }
0x70: {  	[hbm4b:s3+s2] =	stream.indirect_vreg.scatter [tilespmem:s28], [sflag:$0x1], $0x80, v3, vm0, $0xb8;
	[tilespmem:$0x10080] =	vst v63  }
0x71: {  	_ = 	snop  }
0x72: {  	[hbm4b:s4+s2] =	stream.indirect_vreg.scatter [tilespmem:s29], [sflag:$0x1], $0x80, v3, vm0, $0xb8;
	[tilespmem:$0x10080] =	vst v63  }
0x73: {  	p0 =	sne.s32 s7, $0x1  }
0x74: {  	[hbm4b:s5+s2] =	stream.indirect_vreg.scatter [tilespmem:s30], [sflag:$0x1], $0x80, v3, vm0, $0xb8;
	[tilespmem:$0x10080] =	vst v63  }
.Ltmp0:
0x75: {  	_ = 	snop;
	(pc) =	sbr.rel @p0 .LBB2_1-.Ltmp0, $4  }
0x76: {  	[hbm4b:s6+s2] =	stream.indirect_vreg.scatter [tilespmem:s31], [sflag:$0x1], $0x80, v3, vm0, $0xb8;
	[tilespmem:$0x10080] =	vst v63  }
0x77: {  	_ =	swait.ge [sflag:s1], $0x10000  }
0x78: {  	[sflag:s1] =	ssyncset.done $0x0  }
0x79: {  	s7 =	sadd.s32 $0xFFFFFFFF, s7;
	[sflag:s1] =	ssyncadd.s32 $0xFFFF0000  }
0x7a: {  	_ =	sfence.sel $0x180000  }
0x7b: {  	[bflag:$0x0] =	sbarrier.arrive $0xFFFF  }
0x7c: {  	_ =	strace $0x90000047  }
0x7d: {  	s0 =	stileid.u32;
	[bflag:$0x2] =	sbarrier.arrive $0xFFFF  }
0x7e: {  	p0 =	sne.s32 s0, $0x0;
	s0 =	rddreg [dreg:$0x2]  }
0x7f: {  	s0 =	sadd.s32 @!p0 $0x100000, s0  }
0x80: {  	[sflag:s0] =	ssyncadd.tile.s32 @!p0 $0x1;
	_ =	shalt  }
.Lfunc_end2:
_tile_overlayer_lowered:
.L_overlay_start_2:
0x81: {  	(tag) =	ssettag $0x2  }
0x82: {  	s0 =	rddreg [dreg:$0x0];
	s2 =	stileid.u32  }
0x83: {  	s1 =	rddreg [dreg:$0x1];
	p0 =	sne.s32 s2, $0x0  }
0x84: {  	s3 =	rddreg [dreg:$0x2];
	[bflag:$0x3] =	sbarrier.arrive $0xFFFF;
	s2 =	simm.s32 @!p0 $0x1C02  }
0x85: {  	[timem:s3], [sflag:s2] =	dma.local @!p0 [hbm:s0], s1  }
0x86: {  	s0 =	simm.s32 @!p0 $0x2  }
0x87: {  	_ =	swait.ge @!p0 [sflag:s0], s1  }
0x88: {  	s1 =	ssub.s32 @!p0 $0x0, s1;
	[sflag:s0] =	ssyncset.done @!p0 $0x0  }
0x89: {  	[sflag:s0] =	ssyncadd.s32 @!p0 s1  }
0x8a: {  	[bflag:$0x3] =	sbarrier.arrive $0xFFFF  }
0x8b: {  	_ =	shalt  }

// kernel: kernel.9.cloned.1.call-start
scs
__scs_entry_jumppad:
0x0: {  	(pc) =	sbr.rel $0x88, $3  }
0x1: {  	(tag) =	ssettag $0x0;
	lr =	simm.s32 $0x1  }
0x2: {  	[smem:$0x3F9C] =	sst lr;
	_ =	strace $0xD0000000  }
0x3: {  	_ = 	snop  }
0x4: {  	_ = 	snop  }
0x5: {  	_ = 	snop  }
0x6: {  	_ = 	snop  }
0x7: {  	_ = 	snop  }
__scs_overlays_trampoline_lowered:
0x8: {  	[smem:$0x3FAB] =	sst s0  }
0x9: {  	[smem:$0x3FAC] =	sst s1  }
0xa: {  	[smem:$0x3FAD] =	sst s2  }
0xb: {  	[smem:$0x3FAE] =	sst s3  }
0xc: {  	[smem:$0x3FAF] =	sst s4  }
0xd: {  	[smem:$0x3FB0] =	sst s5  }
0xe: {  	[smem:$0x3FB1] =	sst s6  }
0xf: {  	[smem:$0x3FB2] =	sst s7  }
0x10: {  	[smem:$0x3FB3] =	sst s8  }
0x11: {  	[smem:$0x3FB4] =	sst s9;
	s0 =	simm.s32 @!p0 $0x0  }
0x12: {  	s1 =	sld [smem:$0x3F9A];
	s0 =	simm.s32 @p0 $0x1  }
0x13: {  	[smem:$0x3FB5] =	sst s0;
	s0 =	simm.s32 @!p1 $0x0  }
0x14: {  	s2 =	sld [smem:$0x3F99];
	s0 =	simm.s32 @p1 $0x1  }
0x15: {  	[smem:$0x3FB6] =	sst s0;
	s0 =	simm.s32 @!p2 $0x0  }
0x16: {  	s3 =	sld [smem:$0x3FDB];
	s0 =	simm.s32 @p2 $0x1  }
0x17: {  	s4 =	simm.s32 $0x1BF5;
	[smem:$0x3FB8] =	sst s0  }
0x18: {  	s0 =	sld [smem:$0x3F9B];
	_ =	swait.ge [sflag:s4], $0x0  }
0x19: {  	s7 =	sld [smem:$0x3F9C]  }
0x1a: {  	s8 =	sadd.s32 $0xFFFFE003, lr  }
0x1b: {  	s9 =	sadd.s32 $0xFFFFFEF7, lr;
	s5 =	simm.s32 $0xFFFFFFFF;
	p2 =	slt.u32 s8, $0xFFFFF086  }
0x1c: {  	p1 =	slt.u32 s9, $0xF7A;
	s5 =	simm.s32 @!p2 $0x0  }
0x1d: {  	s5 =	simm.s32 @p1 $0x1;
	p0 =	seq.s32 s7, s2  }
0x1e: {  	s7 =	smul.u32 @!p0 $0xF7A, s2;
	p2 =	seq.s32 @!p0 s5, $0x0  }
0x1f: {  	s9 =	smul.u32 $0xF7A, s1;
	s8 =	simm.s32 @!p0 $0x1BF5;
	p2 =	por !p2, p0  }
0x20: {  	[sflag:s8] =	ssyncset.s32 @!p0 $0xFFFFF086;
	s6 =	sadd.s32 @!p0 s3, s7;
	s7 =	simm.s32 @!p0 $0x108  }
0x21: {  	s3 =	sadd.s32 s3, s9;
	s6 =	sadd.s32 @!p0 $0x88, s6;
	s7 =	simm.s32 @p2 $0x1082  }
0x22: {  	[simem:s7], [sflag:s8] =	dma.local @!p0 [hbm:s6], $0xF7A  }
0x23: {  	s9 =	sor.u32 $0xD0000000, s2;
	s6 =	simm.s32 $0x108;
	_ =	swait.ge @!p0 [sflag:s8], $0x0  }
0x24: {  	s3 =	sadd.s32 $0x88, s3;
	s6 =	simm.s32 @!p1 $0x1082;
	[sflag:s4] =	ssyncset.s32 $0xFFFFF086  }
0x25: {  	[simem:s6], [sflag:s4] =	dma.local [hbm:s3], $0xF7A  }
0x26: {  	[smem:$0x3F9C] =	sst s1;
	(tag) =	ssettag s2;
	_ =	strace s9  }
0x27: {  	s1 =	sld [smem:$0x3FAC]  }
0x28: {  	s2 =	sld [smem:$0x3FAD]  }
0x29: {  	s4 =	sld [smem:$0x3FAF]  }
0x2a: {  	p0 =	seq.s32 s5, $0x0;
	s5 =	sld [smem:$0x3FB0]  }
0x2b: {  	s6 =	sld [smem:$0x3FB1]  }
0x2c: {  	s7 =	sld [smem:$0x3FB2]  }
0x2d: {  	s3 =	simm.s32 $0x108;
	s8 =	sld [smem:$0x3FB3]  }
0x2e: {  	s3 =	simm.s32 @!p0 $0x1082;
	s9 =	sld [smem:$0x3FB4]  }
0x2f: {  	lr =	sadd.s32 s0, s3;
	s0 =	sld [smem:$0x3FAB]  }
0x30: {  	s3 =	sld [smem:$0x3FAE]  }
0x31: {  	[smem:$0x3FB7] =	sst s10  }
0x32: {  	s10 =	sld [smem:$0x3FB5];
	_ =	sdelay $0x3  }
0x33: {  	p0 =	seq.s32 s10, $0x1;
	s10 =	sld [smem:$0x3FB7];
	_ =	sdelay $0x3  }
0x34: {  	[smem:$0x3FB7] =	sst s10  }
0x35: {  	s10 =	sld [smem:$0x3FB6];
	_ =	sdelay $0x3  }
0x36: {  	p1 =	seq.s32 s10, $0x1;
	s10 =	sld [smem:$0x3FB7];
	_ =	sdelay $0x3  }
0x37: {  	[smem:$0x3FB7] =	sst s10  }
0x38: {  	s10 =	sld [smem:$0x3FB8]  }
0x39: {  	_ = 	snop;
	(pc) =	sbr.ind lr, $3  }
0x3a: {  	_ = 	snop  }
0x3b: {  	_ = 	snop  }
0x3c: {  	p2 =	seq.s32 s10, $0x1;
	s10 =	sld [smem:$0x3FB7]  }
0x3d: {  	_ =	shalt  }
0x3e: {  	_ =	shalt  }
0x3f: {  	_ =	shalt  }
0x40: {  	_ =	shalt  }
0x41: {  	_ =	shalt  }
0x42: {  	_ =	shalt  }
0x43: {  	_ =	shalt  }
0x44: {  	_ =	shalt  }
0x45: {  	_ =	shalt  }
0x46: {  	_ =	shalt  }
0x47: {  	_ =	shalt  }
0x48: {  	_ =	shalt  }
0x49: {  	_ =	shalt  }
0x4a: {  	_ =	shalt  }
0x4b: {  	_ =	shalt  }
0x4c: {  	_ =	shalt  }
0x4d: {  	_ =	shalt  }
0x4e: {  	_ =	shalt  }
0x4f: {  	_ =	shalt  }
0x50: {  	_ =	shalt  }
0x51: {  	_ =	shalt  }
0x52: {  	_ =	shalt  }
0x53: {  	_ =	shalt  }
0x54: {  	_ =	shalt  }
0x55: {  	_ =	shalt  }
0x56: {  	_ =	shalt  }
0x57: {  	_ =	shalt  }
0x58: {  	_ =	shalt  }
0x59: {  	_ =	shalt  }
0x5a: {  	_ =	shalt  }
0x5b: {  	_ =	shalt  }
0x5c: {  	_ =	shalt  }
0x5d: {  	_ =	shalt  }
0x5e: {  	_ =	shalt  }
0x5f: {  	_ =	shalt  }
0x60: {  	_ =	shalt  }
0x61: {  	_ =	shalt  }
0x62: {  	_ =	shalt  }
0x63: {  	_ =	shalt  }
0x64: {  	_ =	shalt  }
0x65: {  	_ =	shalt  }
0x66: {  	_ =	shalt  }
0x67: {  	_ =	shalt  }
0x68: {  	_ =	shalt  }
0x69: {  	_ =	shalt  }
0x6a: {  	_ =	shalt  }
0x6b: {  	_ =	shalt  }
0x6c: {  	_ =	shalt  }
0x6d: {  	_ =	shalt  }
0x6e: {  	_ =	shalt  }
0x6f: {  	_ =	shalt  }
0x70: {  	_ =	shalt  }
0x71: {  	_ =	shalt  }
0x72: {  	_ =	shalt  }
0x73: {  	_ =	shalt  }
0x74: {  	_ =	shalt  }
0x75: {  	_ =	shalt  }
0x76: {  	_ =	shalt  }
0x77: {  	_ =	shalt  }
0x78: {  	_ =	shalt  }
0x79: {  	_ =	shalt  }
0x7a: {  	_ =	shalt  }
0x7b: {  	_ =	shalt  }
0x7c: {  	_ =	shalt  }
0x7d: {  	_ =	shalt  }
0x7e: {  	_ =	shalt  }
0x7f: {  	_ =	shalt  }
0x80: {  	_ =	shalt  }
0x81: {  	_ =	shalt  }
0x82: {  	_ =	shalt  }
0x83: {  	_ =	shalt  }
0x84: {  	_ =	shalt  }
0x85: {  	_ =	shalt  }
0x86: {  	_ =	shalt  }
0x87: {  	_ =	shalt  }
.Lfunc_end0:
.L_simem_size_0:
called_computation.1_lowered:
.L_overlay_start_0:
0x88: {  	s2 =	sld [smem:$0x3FD9]  }
0x89: {  	s3 =	sld [smem:$0x3FFE];
	_ =	sdelay $0x1  }
0x8a: {  	s1 =	srdreg.scid  }
0x8b: {  	s0 =	sand.u32 $0x1, s1  }
0x8c: {  	s17 =	sshll.u32 s0, $0xA;
	s2 =	sadd.s32 s3, s2  }
0x8d: {  	s2 =	sadd.s32 s2, s17  }
0x8e: {  	[smem:$0x3FC3] =	sst s2  }
0x8f: {  	_ = 	snop  }
0x90: {  	s2 =	sld [smem:$0x3FD0];
	(tm) =	ssettm $0x1  }
0x91: {  	s18 =	sld [smem:$0x3FFB];
	_ =	sdelay $0x3  }
0x92: {  	_ =	strace s18  }
0x93: {  	s3 =	sld [smem:$0x3FFC];
	_ =	sdelay $0x3  }
0x94: {  	_ =	strace s3  }
0x95: {  	s3 =	sld [smem:$0x3FFD];
	_ =	sdelay $0x3  }
0x96: {  	_ =	strace s3  }
0x97: {  	_ =	strace $0x8FFFFFFF  }
0x98: {  	s19 =	sld [smem:$0x3FDB];
	_ =	sdelay $0x1  }
0x99: {  	s4 =	simm.s32 $_scs_section_size  }
0x9a: {  	s5 =	simm.s32 $_size__tile_overlayer_lowered;
	s6 =	simm.s32 $_tile_overlayer_lowered  }
0x9b: {  	s22 =	simm.s32 $0x1BFF;
	s21 =	sshll.u32 s6, $0x1;
	s3 =	sadd.s32 s4, s19  }
0x9c: {  	s7 =	simm.s32 $0x0;
	s20 =	sshll.u32 s5, $0x1;
	s5 =	sadd.s32 s21, s3  }
0x9d: {  	[timem:s7], [sflag:s22] =	dma.local [hbm:s5], s20  }
0x9e: {  	_ =	swait.ge [sflag:s22], s20  }
0x9f: {  	s4 =	ssub.s32 $0x0, s20;
	[sflag:s22] =	ssyncset.done $0x0  }
0xa0: {  	[sflag:s22] =	ssyncadd.s32 s4;
	_ =	sdelay $0x1  }
0xa1: {  	s23 =	simm.s32 $0x1B8B  }
0xa2: {  	_ =	swait.ge [sflag:s23], $0x1  }
0xa3: {  	[sflag:s23] =	ssyncset.done $0x0  }
0xa4: {  	s25 =	simm.s32 $0x1B8E;
	s24 =	sld [smem:$0x3FFE];
	[sflag:s23] =	ssyncadd.s32 $0xFFFFFFFF  }
0xa5: {  	s26 =	simm.s32 $execute0_lowered;
	[smem:$0x3FD2] =	sst s25  }
0xa6: {  	s5 =	sshll.u32 s26, $0x1;
	_ =	strace $0x80000049;
	[dreg:$0x1] =	wrdreg $0xFFFFFFFF  }
0xa7: {  	s28 =	simm.s32 $_size_execute0_lowered;
	s3 =	sadd.s32 s3, s5;
	[dreg:$0x0] =	wrdreg $0x0  }
0xa8: {  	s5 =	sshll.u32 s28, $0x1;
	[dreg:$0x2] =	wrdreg s3  }
0xa9: {  	[dreg:$0x3] =	wrdreg s5  }
0xaa: {  	[dreg:$0x4] =	wrdreg $0xC0  }
0xab: {  	_ =	task [dreg:s7], $0x5FFFF  }
0xac: {  	[dreg:$0x1] =	wrdreg $0xFFFFFFFF  }
0xad: {  	[dreg:$0x0] =	wrdreg $0x60  }
0xae: {  	[dreg:$0x2] =	wrdreg s24  }
0xaf: {  	[dreg:$0x3] =	wrdreg s2  }
0xb0: {  	[dreg:$0x4] =	wrdreg $0x9  }
0xb1: {  	_ =	task.clear_ibuf [dreg:s7], $0x5FFFF;
	_ =	strace $0x90000049  }
0xb2: {  	s29 =	simm.s32 $0x9;
	_ =	strace $0x8000004B  }
0xb3: {  	_ =	swait.ge [sflag:s29], $0x1  }
0xb4: {  	[sflag:s29] =	ssyncadd.s32 $0xFFFFFFFF  }
0xb5: {  	_ =	strace $0x9000004B  }
0xb6: {  	_ =	sfence  }
0xb7: {  	s30 =	sld [smem:$0x0];
	_ =	sdelay $0x2  }
0xb8: {  	s31 =	sshll.u32 s1, $0xD;
	s1 =	sshrl.u32 s1, $0x2  }
0xb9: {  	s3 =	sand.u32 $0x4000, s31;
	s1 =	sadd.s32 s1, s30  }
0xba: {  	s0 =	sor.u32 s3, s0;
	s1 =	sshll.u32 s1, $0x11  }
0xbb: {  	s0 =	sor.u32 s1, s0  }
0xbc: {  	s0 =	sadd.s32 $0x8F2B, s0  }
0xbd: {  	[sflag:s0] =	ssyncadd.remote.s32 $0x1  }
0xbe: {  	_ =	sfence.sel $0xFFFF  }
0xbf: {  	[dreg:$0x0] =	wrdreg $0xFFFFFFFF;
	(pc) =	sbr.abs _section_cstart, $3  }
0xc0: {  	[dreg:$0x1] =	wrdreg $0xFFFFFFFF  }
0xc1: {  	_ =	task.clear_ibuf [dreg:s7], $0x2FFFF;
	_ =	strace $0x9FFFFFFF  }
0xc2: {  	(tm) =	ssettm $0x7FFFFFFF  }
0xc3: {  	_ =	shalt  }
tec
execute0_lowered:
.L_overlay_start_1:
0x0: {  	(tag) =	ssettag $0x1  }
0x1: {  	s1 =	srdreg.scid  }
0x2: {  	s0 =	stileid.u32;
	s6 =	rddreg [dreg:$0x0]  }
0x3: {  	s4 =	rddreg [dreg:$0x1];
	s18 =	simm.s32 $0x880;
	s19 =	simm.s32 $0x1080  }
0x4: {  	s20 =	simm.s32 $0x1880;
	s22 =	simm.s32 $0x2080;
	s23 =	simm.s32 $0x2880  }
0x5: {  	s7 =	simm.s32 $0x3080;
	s24 =	simm.s32 $0x3880;
	s8 =	simm.s32 $0x4080  }
0x6: {  	s25 =	simm.s32 $0x4880;
	s26 =	simm.s32 $0x5080;
	s1 =	sand.u32 $0x1, s1  }
0x7: {  	s9 =	simm.s32 $0x80;
	s2 =	sshll.u32 s0, $0x7;
	s3 =	sshll.u32 s1, $0x6  }
0x8: {  	s11 =	simm.s32 $0x6080;
	s3 =	sor.u32 s3, s2;
	s2 =	simm.s32 $0x0  }
0x9: {  	s12 =	simm.s32 $0x6880;
	s13 =	simm.s32 $0x7080;
	[smem:$0x7FF] =	sst s2  }
0xa: {  	s14 =	simm.s32 $0x7880;
	_ =	strace $0x8000004A;
	[dreg:$0x5] =	wrdreg s18  }
0xb: {  	s15 =	simm.s32 $0x8080;
	s16 =	simm.s32 $0x8880;
	[dreg:$0x6] =	wrdreg s19  }
0xc: {  	s17 =	simm.s32 $0x9080;
	s28 =	simm.s32 $0xE080;
	[dreg:$0x7] =	wrdreg s20  }
0xd: {  	s29 =	simm.s32 $0xE880;
	s30 =	simm.s32 $0xF080;
	[dreg:$0x8] =	wrdreg s22  }
0xe: {  	s31 =	simm.s32 $0xF880;
	s1 =	ssub.s32 $0x2, s1;
	[dreg:$0x9] =	wrdreg s23  }
0xf: {  	s21 =	sshrl.u32 s1, $0x1;
	s5 =	sshrl.u32 s3, $0x3;
	[dreg:$0xa] =	wrdreg s7  }
0x10: {  	s3 =	sshll.u32 s3, $0x7;
	s1 =	ssub.s32 s1, s21;
	[dreg:$0xb] =	wrdreg s24  }
0x11: {  	s21 =	simm.s32 $0xB080;
	s5 =	sadd.s32 s5, s6;
	[dreg:$0xc] =	wrdreg s8  }
0x12: {  	s3 =	sadd.s32 s4, s3;
	s4 =	sadd.s32 $0x60F00, s6;
	[dreg:$0xd] =	wrdreg s25  }
0x13: {  	s7 =	smax.u32 s1, $0x1;
	s8 =	simm.s32 $0x2;
	[dreg:$0xe] =	wrdreg s26  }
0x14: {  	s18 =	simm.s32 $0x9880;
	s19 =	simm.s32 $0xA080;
	s20 =	simm.s32 $0xA880  }
0x15: {  	s22 =	simm.s32 $0xB880;
	s23 =	simm.s32 $0xC080;
	s24 =	simm.s32 $0xC880  }
0x16: {  	v2 =	vlaneseq.u32;
	s25 =	simm.s32 $0xD080;
	s26 =	simm.s32 $0xD880;
	s1 =	simm.s32 $0x1  }
0x17: {  	vm0 =	vmmov $0xffff;
	v1 =	vshrl.u32 v2, $0x3;
	s5 =	sadd.s32 $0xA00, s5;
	[dreg:$0x4] =	wrdreg s3;
	s3 =	sadd.s32 $0x60E00, s6  }
0x18: {  	v0 =	vand.u32 $0x7, v2;
	v2 =	vor.u32 $0x8, v2;
	v1 =	vmul.u32 $0x8, v1;
	[dreg:$0x3] =	wrdreg s5;
	s5 =	sadd.s32 $0x61000, s6;
	s6 =	sadd.s32 $0x61100, s6  }
.LBB2_1:
0x19: {  	s0 =	rddreg [dreg:$0x3]  }
0x1a: {  	[tilespmem:s2], [sflag:$0x2] =	stream.linear.gather [hbm4b:s0+s2], $0x40, $0x38;
	[tilespmem:$0x10080] =	vst v63  }
0x1b: {  	_ =	swait.ge [sflag:s8], $0x40  }
0x1c: {  	[sflag:s8] =	ssyncset.done $0x0  }
0x1d: {  	[sflag:s8] =	ssyncadd.s32 $0xFFFFFFC0  }
0x1e: {  	v3 =	vld [tilespmem:$0x0];
	_ =	sdelay $0x4  }
0x1f: {  	v4 =	vshll.u32 v3, $0x3  }
0x20: {  	v3 =	vand.u32 $0x7, v3;
	v4 =	vand.u32 $0xFFFFFFC0, v4  }
0x21: {  	v3 =	vor.u32 v3, v4  }
0x22: {  	v4 =	vperm.xlane v3, v0;
	_ =	sdelay $0x1  }
0x23: {  	v4 =	vadd.s32 v1, v4;
	_ =	sdelay $0x4  }
0x24: {  	[tilespmem:s9], [sflag:$0x1] =	stream.indirect_vreg.gather [hbm4b:s3+s2], $0x80, v4, vm0, $0xb8;
	[tilespmem:$0x10080] =	vst v63  }
0x25: {  	s0 =	rddreg [dreg:$0x5];
	v3 =	vperm.xlane v3, v2  }
0x26: {  	[tilespmem:s0], [sflag:$0x1] =	stream.indirect_vreg.gather [hbm4b:s4+s2], $0x80, v4, vm0, $0xb8;
	[tilespmem:$0x10080] =	vst v63  }
0x27: {  	s10 =	rddreg [dreg:$0x6];
	v3 =	vadd.s32 v1, v3  }
0x28: {  	[tilespmem:s10], [sflag:$0x1] =	stream.indirect_vreg.gather [hbm4b:s5+s2], $0x80, v4, vm0, $0xb8;
	[tilespmem:$0x10080] =	vst v63  }
0x29: {  	s0 =	rddreg [dreg:$0x7]  }
0x2a: {  	[tilespmem:s0], [sflag:$0x1] =	stream.indirect_vreg.gather [hbm4b:s6+s2], $0x80, v4, vm0, $0xb8;
	[tilespmem:$0x10080] =	vst v63  }
0x2b: {  	s10 =	rddreg [dreg:$0x8]  }
0x2c: {  	[tilespmem:s10], [sflag:$0x1] =	stream.indirect_vreg.gather [hbm4b:s3+s2], $0x80, v3, vm0, $0xb8;
	[tilespmem:$0x10080] =	vst v63  }
0x2d: {  	s0 =	rddreg [dreg:$0x9]  }
0x2e: {  	[tilespmem:s0], [sflag:$0x1] =	stream.indirect_vreg.gather [hbm4b:s4+s2], $0x80, v3, vm0, $0xb8;
	[tilespmem:$0x10080] =	vst v63  }
0x2f: {  	s10 =	rddreg [dreg:$0xa]  }
0x30: {  	[tilespmem:s10], [sflag:$0x1] =	stream.indirect_vreg.gather [hbm4b:s5+s2], $0x80, v3, vm0, $0xb8;
	[tilespmem:$0x10080] =	vst v63  }
0x31: {  	s0 =	rddreg [dreg:$0xb]  }
0x32: {  	[tilespmem:s0], [sflag:$0x1] =	stream.indirect_vreg.gather [hbm4b:s6+s2], $0x80, v3, vm0, $0xb8;
	[tilespmem:$0x10080] =	vst v63  }
0x33: {  	v3 =	vld [tilespmem:$0x10];
	_ =	sdelay $0x4  }
0x34: {  	v61 =	vshll.u32 v3, $0x3  }
0x35: {  	v3 =	vand.u32 $0x7, v3;
	v4 =	vand.u32 $0xFFFFFFC0, v61  }
0x36: {  	v3 =	vor.u32 v3, v4  }
0x37: {  	v4 =	vperm.xlane v3, v0;
	_ =	sdelay $0x1  }
0x38: {  	v4 =	vadd.s32 v1, v4;
	_ =	sdelay $0x3  }
0x39: {  	s0 =	rddreg [dreg:$0xc]  }
0x3a: {  	[tilespmem:s0], [sflag:$0x1] =	stream.indirect_vreg.gather [hbm4b:s3+s2], $0x80, v4, vm0, $0xb8;
	[tilespmem:$0x10080] =	vst v63  }
0x3b: {  	s10 =	rddreg [dreg:$0xd];
	v3 =	vperm.xlane v3, v2  }
0x3c: {  	[tilespmem:s10], [sflag:$0x1] =	stream.indirect_vreg.gather [hbm4b:s4+s2], $0x80, v4, vm0, $0xb8;
	[tilespmem:$0x10080] =	vst v63  }
0x3d: {  	v3 =	vadd.s32 v1, v3;
	s0 =	rddreg [dreg:$0xe]  }
0x3e: {  	[tilespmem:s0], [sflag:$0x1] =	stream.indirect_vreg.gather [hbm4b:s5+s2], $0x80, v4, vm0, $0xb8;
	[tilespmem:$0x10080] =	vst v63  }
0x3f: {  	s10 =	simm.s32 $0x5880  }
0x40: {  	[tilespmem:s10], [sflag:$0x1] =	stream.indirect_vreg.gather [hbm4b:s6+s2], $0x80, v4, vm0, $0xb8;
	[tilespmem:$0x10080] =	vst v63  }
0x41: {  	_ = 	snop  }
0x42: {  	[tilespmem:s11], [sflag:$0x1] =	stream.indirect_vreg.gather [hbm4b:s3+s2], $0x80, v3, vm0, $0xb8;
	[tilespmem:$0x10080] =	vst v63  }
0x43: {  	_ = 	snop  }
0x44: {  	[tilespmem:s12], [sflag:$0x1] =	stream.indirect_vreg.gather [hbm4b:s4+s2], $0x80, v3, vm0, $0xb8;
	[tilespmem:$0x10080] =	vst v63  }
0x45: {  	_ = 	snop  }
0x46: {  	[tilespmem:s13], [sflag:$0x1] =	stream.indirect_vreg.gather [hbm4b:s5+s2], $0x80, v3, vm0, $0xb8;
	[tilespmem:$0x10080] =	vst v63  }
0x47: {  	_ = 	snop  }
0x48: {  	[tilespmem:s14], [sflag:$0x1] =	stream.indirect_vreg.gather [hbm4b:s6+s2], $0x80, v3, vm0, $0xb8;
	[tilespmem:$0x10080] =	vst v63  }
0x49: {  	v3 =	vld [tilespmem:$0x20];
	_ =	sdelay $0x4  }
0x4a: {  	v62 =	vshll.u32 v3, $0x3  }
0x4b: {  	v3 =	vand.u32 $0x7, v3;
	v4 =	vand.u32 $0xFFFFFFC0, v62  }
0x4c: {  	v3 =	vor.u32 v3, v4  }
0x4d: {  	v4 =	vperm.xlane v3, v0;
	_ =	sdelay $0x1  }
0x4e: {  	v4 =	vadd.s32 v1, v4;
	_ =	sdelay $0x4  }
0x4f: {  	[tilespmem:s15], [sflag:$0x1] =	stream.indirect_vreg.gather [hbm4b:s3+s2], $0x80, v4, vm0, $0xb8;
	[tilespmem:$0x10080] =	vst v63  }
0x50: {  	v3 =	vperm.xlane v3, v2  }
0x51: {  	[tilespmem:s16], [sflag:$0x1] =	stream.indirect_vreg.gather [hbm4b:s4+s2], $0x80, v4, vm0, $0xb8;
	[tilespmem:$0x10080] =	vst v63  }
0x52: {  	v3 =	vadd.s32 v1, v3  }
0x53: {  	[tilespmem:s17], [sflag:$0x1] =	stream.indirect_vreg.gather [hbm4b:s5+s2], $0x80, v4, vm0, $0xb8;
	[tilespmem:$0x10080] =	vst v63  }
0x54: {  	_ = 	snop  }
0x55: {  	[tilespmem:s18], [sflag:$0x1] =	stream.indirect_vreg.gather [hbm4b:s6+s2], $0x80, v4, vm0, $0xb8;
	[tilespmem:$0x10080] =	vst v63  }
0x56: {  	_ = 	snop  }
0x57: {  	[tilespmem:s19], [sflag:$0x1] =	stream.indirect_vreg.gather [hbm4b:s3+s2], $0x80, v3, vm0, $0xb8;
	[tilespmem:$0x10080] =	vst v63  }
0x58: {  	_ = 	snop  }
0x59: {  	[tilespmem:s20], [sflag:$0x1] =	stream.indirect_vreg.gather [hbm4b:s4+s2], $0x80, v3, vm0, $0xb8;
	[tilespmem:$0x10080] =	vst v63  }
0x5a: {  	_ = 	snop  }
0x5b: {  	[tilespmem:s21], [sflag:$0x1] =	stream.indirect_vreg.gather [hbm4b:s5+s2], $0x80, v3, vm0, $0xb8;
	[tilespmem:$0x10080] =	vst v63  }
0x5c: {  	_ = 	snop  }
0x5d: {  	[tilespmem:s22], [sflag:$0x1] =	stream.indirect_vreg.gather [hbm4b:s6+s2], $0x80, v3, vm0, $0xb8;
	[tilespmem:$0x10080] =	vst v63  }
0x5e: {  	v3 =	vld [tilespmem:$0x30];
	_ =	sdelay $0x4  }
0x5f: {  	v63 =	vshll.u32 v3, $0x3  }
0x60: {  	v3 =	vand.u32 $0x7, v3;
	v4 =	vand.u32 $0xFFFFFFC0, v63  }
0x61: {  	v3 =	vor.u32 v3, v4  }
0x62: {  	v4 =	vperm.xlane v3, v0;
	_ =	sdelay $0x1  }
0x63: {  	v4 =	vadd.s32 v1, v4;
	_ =	sdelay $0x4  }
0x64: {  	[tilespmem:s23], [sflag:$0x1] =	stream.indirect_vreg.gather [hbm4b:s3+s2], $0x80, v4, vm0, $0xb8;
	[tilespmem:$0x10080] =	vst v63  }
0x65: {  	v3 =	vperm.xlane v3, v2  }
0x66: {  	[tilespmem:s24], [sflag:$0x1] =	stream.indirect_vreg.gather [hbm4b:s4+s2], $0x80, v4, vm0, $0xb8;
	[tilespmem:$0x10080] =	vst v63  }
0x67: {  	v3 =	vadd.s32 v1, v3  }
0x68: {  	[tilespmem:s25], [sflag:$0x1] =	stream.indirect_vreg.gather [hbm4b:s5+s2], $0x80, v4, vm0, $0xb8;
	[tilespmem:$0x10080] =	vst v63  }
0x69: {  	_ = 	snop  }
0x6a: {  	[tilespmem:s26], [sflag:$0x1] =	stream.indirect_vreg.gather [hbm4b:s6+s2], $0x80, v4, vm0, $0xb8;
	[tilespmem:$0x10080] =	vst v63  }
0x6b: {  	_ = 	snop  }
0x6c: {  	[tilespmem:s28], [sflag:$0x1] =	stream.indirect_vreg.gather [hbm4b:s3+s2], $0x80, v3, vm0, $0xb8;
	[tilespmem:$0x10080] =	vst v63  }
0x6d: {  	_ = 	snop  }
0x6e: {  	[tilespmem:s29], [sflag:$0x1] =	stream.indirect_vreg.gather [hbm4b:s4+s2], $0x80, v3, vm0, $0xb8;
	[tilespmem:$0x10080] =	vst v63  }
0x6f: {  	_ = 	snop  }
0x70: {  	[tilespmem:s30], [sflag:$0x1] =	stream.indirect_vreg.gather [hbm4b:s5+s2], $0x80, v3, vm0, $0xb8;
	[tilespmem:$0x10080] =	vst v63  }
0x71: {  	_ = 	snop  }
0x72: {  	[tilespmem:s31], [sflag:$0x1] =	stream.indirect_vreg.gather [hbm4b:s6+s2], $0x80, v3, vm0, $0xb8;
	[tilespmem:$0x10080] =	vst v63  }
0x73: {  	_ =	swait.ge [sflag:s1], $0x10000  }
0x74: {  	p0 =	sne.s32 s7, $0x1;
	[sflag:s1] =	ssyncset.done $0x0  }
.Ltmp0:
0x75: {  	s10 =	rddreg [dreg:$0x4];
	[sflag:s1] =	ssyncadd.s32 $0xFFFF0000;
	(pc) =	sbr.rel @p0 .LBB2_1-.Ltmp0, $4  }
0x76: {  	[hbm4b:s10+s2] =	stream.linear.scatter [tilespmem:s9], [sflag:$0x2], $0x10000, $0x38;
	[tilespmem:$0x10080] =	vst v63  }
0x77: {  	_ =	swait.ge [sflag:s8], $0x10000  }
0x78: {  	[sflag:s8] =	ssyncset.done $0x0  }
0x79: {  	s7 =	sadd.s32 $0xFFFFFFFF, s7;
	[sflag:s8] =	ssyncadd.s32 $0xFFFF0000  }
0x7a: {  	_ =	sfence.sel $0x180000  }
0x7b: {  	[bflag:$0x0] =	sbarrier.arrive $0xFFFF  }
0x7c: {  	_ =	strace $0x9000004A  }
0x7d: {  	s0 =	stileid.u32;
	[bflag:$0x2] =	sbarrier.arrive $0xFFFF  }
0x7e: {  	p0 =	sne.s32 s0, $0x0;
	s0 =	rddreg [dreg:$0x2]  }
0x7f: {  	s0 =	sadd.s32 @!p0 $0x100000, s0  }
0x80: {  	[sflag:s0] =	ssyncadd.tile.s32 @!p0 $0x1;
	_ =	shalt  }
.Lfunc_end2:
_tile_overlayer_lowered:
.L_overlay_start_2:
0x81: {  	(tag) =	ssettag $0x2  }
0x82: {  	s0 =	rddreg [dreg:$0x0];
	s2 =	stileid.u32  }
0x83: {  	s1 =	rddreg [dreg:$0x1];
	p0 =	sne.s32 s2, $0x0  }
0x84: {  	s3 =	rddreg [dreg:$0x2];
	[bflag:$0x3] =	sbarrier.arrive $0xFFFF;
	s2 =	simm.s32 @!p0 $0x1C02  }
0x85: {  	[timem:s3], [sflag:s2] =	dma.local @!p0 [hbm:s0], s1  }
0x86: {  	s0 =	simm.s32 @!p0 $0x2  }
0x87: {  	_ =	swait.ge @!p0 [sflag:s0], s1  }
0x88: {  	s1 =	ssub.s32 @!p0 $0x0, s1;
	[sflag:s0] =	ssyncset.done @!p0 $0x0  }
0x89: {  	[sflag:s0] =	ssyncadd.s32 @!p0 s1  }
0x8a: {  	[bflag:$0x3] =	sbarrier.arrive $0xFFFF  }
0x8b: {  	_ =	shalt  }

</sc_bundles>
